<compile_context>
chip_gen: v7x
topology: tpu7x:2x2x1
jax: 0.10.2.dev20260603
libtpu: 0.0.44.dev20260713+nightly
codegen_flags: <defaults>
</compile_context>

<pallas_src>
import functools

import jax
import jax.numpy as jnp
from jax import lax
from jax.experimental import pallas as pl
from jax.experimental.pallas import tpu as pltpu
from jax.experimental.pallas import tpu_sc as plsc

_NBUF = 3
_CH = 16


@functools.lru_cache(maxsize=None)
def _make_gather(BT: int, S: int, D: int):
    info = plsc.get_sparse_core_info()
    NC, NS = info.num_cores, info.num_subcores
    NW = NC * NS
    B = BT * S
    b_per_w = B // NW
    w_per_row = S // b_per_w
    n_chunks = b_per_w // _CH
    assert n_chunks % _NBUF == 1 and n_chunks >= 2 * _NBUF
    n_full_rings = (n_chunks - 1) // _NBUF
    mesh = plsc.VectorSubcoreMesh(core_axis_name="c", subcore_axis_name="s")

    @functools.partial(
        pl.kernel,
        mesh=mesh,
        out_type=jax.ShapeDtypeStruct((B, D), jnp.float32),
        scratch_types=[
            pltpu.VMEM((b_per_w,), jnp.int32),
            *[pltpu.VMEM((_CH, D), jnp.float32) for _ in range(_NBUF)],
            *[pltpu.SemaphoreType.DMA for _ in range(2 * _NBUF)],
        ],
    )
    def gather_kernel(idx_hbm, table_hbm, out_hbm, idx_v, *bufs_and_sems):
        bufs = bufs_and_sems[:_NBUF]
        gsem = bufs_and_sems[_NBUF : 2 * _NBUF]
        osem = bufs_and_sems[2 * _NBUF :]
        wid = lax.axis_index("s") * NC + lax.axis_index("c")
        base = wid * b_per_w
        pltpu.sync_copy(
            idx_hbm.at[wid // w_per_row, pl.ds((wid % w_per_row) * b_per_w, b_per_w)],
            idx_v,
        )

        def start_gather(c, b):
            pltpu.async_copy(
                table_hbm.at[idx_v.at[pl.ds(c * _CH, _CH)]], bufs[b], gsem[b]
            )

        def wait_gather(c, b):
            pltpu.make_async_copy(
                table_hbm.at[idx_v.at[pl.ds(c * _CH, _CH)]], bufs[b], gsem[b]
            ).wait()

        def start_out(c, b):
            pltpu.async_copy(
                bufs[b], out_hbm.at[pl.ds(base + c * _CH, _CH)], osem[b]
            )

        def wait_out(c, b):
            pltpu.make_async_copy(
                bufs[b], out_hbm.at[pl.ds(base + c * _CH, _CH)], osem[b]
            ).wait()

        start_gather(0, 0)
        start_gather(1, 1)

        start_gather(2, 2)
        wait_gather(0, 0)
        start_out(0, 0)
        for b in (1, 2):
            c = b
            wait_out(c - 1, (b + 2) % _NBUF)
            start_gather(c + 2, (b + 2) % _NBUF)
            wait_gather(c, b)
            start_out(c, b)

        def ring(r, carry):
            for b in range(_NBUF):
                c = r * _NBUF + b
                wait_out(c - 1, (b + 2) % _NBUF)
                start_gather(c + 2, (b + 2) % _NBUF)
                wait_gather(c, b)
                start_out(c, b)
            return carry

        lax.fori_loop(1, n_full_rings - 1, ring, 0)

        for c in range((n_full_rings - 1) * _NBUF, n_chunks):
            b = c % _NBUF
            if c + 2 < n_chunks:
                wait_out(c - 1, (b + 2) % _NBUF)
                start_gather(c + 2, (b + 2) % _NBUF)
            wait_gather(c, b)
            start_out(c, b)

        for c in range(n_chunks - _NBUF, n_chunks):
            wait_out(c, c % _NBUF)

    return gather_kernel


def kernel(input_ids, wte):
    BT, S = input_ids.shape
    D = wte.shape[1]
    if input_ids.dtype != jnp.int32:
        input_ids = input_ids.astype(jnp.int32)
    out = _make_gather(BT, S, D)(input_ids, wte)
    return out.reshape(BT, S, D)

# --- scband reference (transcript-rebuilt; emitter-appended) ---
"""Pipeline reference for scband-code-gen-flash-embedding-20607253086604 (READ-ONLY COPY).

The authoritative reference and input builder live on the scoring server;
editing this copy changes nothing except your own understanding.
"""

import jax, jax.numpy as jnp
import numpy as np

VOCAB = 50304
N_EMBD = 2048
BATCH = 4
SEQ = 2048

def setup_inputs(seed: int = 0) -> dict:
    key = jax.random.key(seed)
    k1, k2 = jax.random.split(key)
    input_ids = jax.random.randint(k1, (BATCH, SEQ), 0, VOCAB, dtype=jnp.int64 if jax.config.jax_enable_x64 else jnp.int32)
    wte = jax.random.normal(k2, (VOCAB, N_EMBD), dtype=jnp.float32) * 0.02
    return {"input_ids": input_ids, "wte": wte}

def reference(input_ids, wte):
    # forward of CodeGenFlashEmbedding (dropout p=0 -> identity in eval)
    input_shape = input_ids.shape
    flat_ids = input_ids.reshape(-1, input_shape[-1])
    hidden_states = jnp.take(wte, flat_ids, axis=0)
    return hidden_states

if __name__ == "__main__":
    import jax
    _d = setup_inputs()
    print(jax.jit(kernel)(*tuple(_d.values())))

</pallas_src>

<mosaic_0001>
#map = affine_map<(d0, d1) -> (0, 0)>
module attributes {stable_mosaic.version = 14 : i64} {
  func.func @gather_kernel(%arg0: i32, %arg1: i32, %arg2: memref<4x2048xi32, #tpu.memory_space<hbm>>, %arg3: memref<50304x2048xf32, #tpu.memory_space<hbm>>, %arg4: memref<8192x2048xf32, #tpu.memory_space<hbm>>, %arg5: memref<256xi32, #tpu.memory_space<vmem>>, %arg6: memref<16x2048xf32, #tpu.memory_space<vmem>>, %arg7: memref<16x2048xf32, #tpu.memory_space<vmem>>, %arg8: memref<16x2048xf32, #tpu.memory_space<vmem>>, %arg9: memref<!tpu.dma_semaphore, #tpu.memory_space<semaphore_mem>>, %arg10: memref<!tpu.dma_semaphore, #tpu.memory_space<semaphore_mem>>, %arg11: memref<!tpu.dma_semaphore, #tpu.memory_space<semaphore_mem>>, %arg12: memref<!tpu.dma_semaphore, #tpu.memory_space<semaphore_mem>>, %arg13: memref<!tpu.dma_semaphore, #tpu.memory_space<semaphore_mem>>, %arg14: memref<!tpu.dma_semaphore, #tpu.memory_space<semaphore_mem>>) attributes {dimension_semantics = [#tpu.dimension_semantics<core_parallel>, #tpu.dimension_semantics<subcore_parallel>], iteration_bounds = array<i64: 2, 16>, scalar_prefetch = 0 : i64, scratch_operands = 10 : i64, tpu.core_type = #tpu.core_type<sc_vector_subcore>, window_params = [{transform_indices = #map}, {transform_indices = #map}, {transform_indices = #map}]} {
    %mul3A = arith.constant 2 : i32
    %mul3A_0 = arith.muli %arg1, %mul3A : i32
    %add3A = arith.addi %mul3A_0, %arg0 : i32
    %mul3A_1 = arith.constant 256 : i32
    %mul3A_2 = arith.muli %add3A, %mul3A_1 : i32
    %jit3A = arith.constant 8 : i32
    %div3A = arith.divsi %add3A, %jit3A : i32
    %sign3A = arith.constant 0 : i32
    %sign3A_3 = arith.cmpi sgt, %add3A, %sign3A : i32
    %sign3A_4 = arith.extui %sign3A_3 : i1 to i32
    %sign3A_5 = arith.constant 0 : i32
    %sign3A_6 = arith.cmpi slt, %add3A, %sign3A_5 : i32
    %sign3A_7 = arith.extui %sign3A_6 : i1 to i32
    %sign3A_8 = arith.subi %sign3A_4, %sign3A_7 : i32
    %sign3A_9 = arith.constant 0 : i32
    %sign3A_10 = arith.cmpi sgt, %jit3A, %sign3A_9 : i32
    %sign3A_11 = arith.extui %sign3A_10 : i1 to i32
    %sign3A_12 = arith.constant 0 : i32
    %sign3A_13 = arith.cmpi slt, %jit3A, %sign3A_12 : i32
    %sign3A_14 = arith.extui %sign3A_13 : i1 to i32
    %sign3A_15 = arith.subi %sign3A_11, %sign3A_14 : i32
    %ne3A = arith.cmpi ne, %sign3A_8, %sign3A_15 : i32
    %rem3A = arith.remsi %add3A, %jit3A : i32
    %ne3A_16 = arith.constant 0 : i32
    %ne3A_17 = arith.cmpi ne, %rem3A, %ne3A_16 : i32
    %and3A = arith.andi %ne3A, %ne3A_17 : i1
    %sub3A = arith.constant 1 : i32
    %sub3A_18 = arith.subi %div3A, %sub3A : i32
    %select_n3A = arith.select %and3A, %sub3A_18, %div3A : i32
    %jit3A_19 = arith.constant 8 : i32
    %eq3A = arith.constant 0 : i32
    %eq3A_20 = arith.cmpi eq, %jit3A_19, %eq3A : i32
    %jit3A_21 = arith.constant 1 : i32
    %select_n3A_22 = arith.select %eq3A_20, %jit3A_21, %jit3A_19 : i32
    %rem3A_23 = arith.remsi %add3A, %select_n3A_22 : i32
    %ne3A_24 = arith.constant 0 : i32
    %ne3A_25 = arith.cmpi ne, %rem3A_23, %ne3A_24 : i32
    %lt3A = arith.constant 0 : i32
    %lt3A_26 = arith.cmpi slt, %rem3A_23, %lt3A : i32
    %lt3A_27 = arith.constant 0 : i32
    %lt3A_28 = arith.cmpi slt, %select_n3A_22, %lt3A_27 : i32
    %ne3A_29 = arith.xori %lt3A_26, %lt3A_28 : i1
    %and3A_30 = arith.andi %ne3A_29, %ne3A_25 : i1
    %add3A_31 = arith.addi %rem3A_23, %select_n3A_22 : i32
    %select_n3A_32 = arith.select %and3A_30, %add3A_31, %rem3A_23 : i32
    %mul3A_33 = arith.constant 256 : i32
    %mul3A_34 = arith.muli %select_n3A_32, %mul3A_33 : i32
    "tpu.region"() ({
      %run_scoped3A = tpu.sem_alloc : memref<!tpu.dma_semaphore, #tpu.memory_space<semaphore_mem>>
      %dma_start3A_192 = tpu.memref_slice %arg2[%select_n3A, %mul3A_34] : memref<4x2048xi32, #tpu.memory_space<hbm>> -> memref<1x256xi32, #tpu.memory_space<hbm>>
      %dma_start3A_193 = tpu.memref_squeeze %dma_start3A_192 : memref<1x256xi32, #tpu.memory_space<hbm>> -> memref<256xi32, #tpu.memory_space<hbm>>
      %dma_start3A_194 = tpu.memref_slice %arg2[%select_n3A, %mul3A_34] : memref<4x2048xi32, #tpu.memory_space<hbm>> -> memref<1x256xi32, #tpu.memory_space<hbm>>
      %dma_start3A_195 = tpu.memref_squeeze %dma_start3A_194 : memref<1x256xi32, #tpu.memory_space<hbm>> -> memref<256xi32, #tpu.memory_space<hbm>>
      tpu.enqueue_dma source(%dma_start3A_195 : memref<256xi32, #tpu.memory_space<hbm>>) target(%arg5 : memref<256xi32, #tpu.memory_space<vmem>>) target_semaphore(%run_scoped3A : memref<!tpu.dma_semaphore, #tpu.memory_space<semaphore_mem>>)
      %dma_wait3A_196 = tpu.memref_slice %arg2[%select_n3A, %mul3A_34] : memref<4x2048xi32, #tpu.memory_space<hbm>> -> memref<1x256xi32, #tpu.memory_space<hbm>>
      %dma_wait3A_197 = tpu.memref_squeeze %dma_wait3A_196 : memref<1x256xi32, #tpu.memory_space<hbm>> -> memref<256xi32, #tpu.memory_space<hbm>>
      %dma_wait3A_198 = tpu.memref_slice %arg2[%select_n3A, %mul3A_34] : memref<4x2048xi32, #tpu.memory_space<hbm>> -> memref<1x256xi32, #tpu.memory_space<hbm>>
      %dma_wait3A_199 = tpu.memref_squeeze %dma_wait3A_198 : memref<1x256xi32, #tpu.memory_space<hbm>> -> memref<256xi32, #tpu.memory_space<hbm>>
      tpu.wait_dma2 semaphore(%run_scoped3A : memref<!tpu.dma_semaphore, #tpu.memory_space<semaphore_mem>>) src(%dma_wait3A_199 : memref<256xi32, #tpu.memory_space<hbm>>) dst(%arg5 : memref<256xi32, #tpu.memory_space<vmem>>)
      tpu.yield
    }) : () -> ()
    %dma_start3A = arith.constant 0 : i32
    %dma_start3A_35 = tpu.memref_slice %arg5[%dma_start3A] : memref<256xi32, #tpu.memory_space<vmem>> -> memref<16xi32, #tpu.memory_space<vmem>>
    %dma_start3A_36 = arith.constant 0 : i32
    %dma_start3A_37 = arith.constant 0 : i32
    %dma_start3A_38 = tpu.memref_slice %arg3[%dma_start3A_36, %dma_start3A_37] : memref<50304x2048xf32, #tpu.memory_space<hbm>> -> memref<50304x2048xf32, #tpu.memory_space<hbm>>
    tpu.enqueue_indirect_dma source(%dma_start3A_38 : memref<50304x2048xf32, #tpu.memory_space<hbm>>) target(%arg6 : memref<16x2048xf32, #tpu.memory_space<vmem>>) offsets(%dma_start3A_35 : memref<16xi32, #tpu.memory_space<vmem>>) semaphore(%arg9 : memref<!tpu.dma_semaphore, #tpu.memory_space<semaphore_mem>>)
    %dma_start3A_39 = arith.constant 16 : i32
    %dma_start3A_40 = tpu.memref_slice %arg5[%dma_start3A_39] : memref<256xi32, #tpu.memory_space<vmem>> -> memref<16xi32, #tpu.memory_space<vmem>>
    %dma_start3A_41 = arith.constant 0 : i32
    %dma_start3A_42 = arith.constant 0 : i32
    %dma_start3A_43 = tpu.memref_slice %arg3[%dma_start3A_41, %dma_start3A_42] : memref<50304x2048xf32, #tpu.memory_space<hbm>> -> memref<50304x2048xf32, #tpu.memory_space<hbm>>
    tpu.enqueue_indirect_dma source(%dma_start3A_43 : memref<50304x2048xf32, #tpu.memory_space<hbm>>) target(%arg7 : memref<16x2048xf32, #tpu.memory_space<vmem>>) offsets(%dma_start3A_40 : memref<16xi32, #tpu.memory_space<vmem>>) semaphore(%arg10 : memref<!tpu.dma_semaphore, #tpu.memory_space<semaphore_mem>>)
    %dma_start3A_44 = arith.constant 32 : i32
    %dma_start3A_45 = tpu.memref_slice %arg5[%dma_start3A_44] : memref<256xi32, #tpu.memory_space<vmem>> -> memref<16xi32, #tpu.memory_space<vmem>>
    %dma_start3A_46 = arith.constant 0 : i32
    %dma_start3A_47 = arith.constant 0 : i32
    %dma_start3A_48 = tpu.memref_slice %arg3[%dma_start3A_46, %dma_start3A_47] : memref<50304x2048xf32, #tpu.memory_space<hbm>> -> memref<50304x2048xf32, #tpu.memory_space<hbm>>
    tpu.enqueue_indirect_dma source(%dma_start3A_48 : memref<50304x2048xf32, #tpu.memory_space<hbm>>) target(%arg8 : memref<16x2048xf32, #tpu.memory_space<vmem>>) offsets(%dma_start3A_45 : memref<16xi32, #tpu.memory_space<vmem>>) semaphore(%arg11 : memref<!tpu.dma_semaphore, #tpu.memory_space<semaphore_mem>>)
    %dma_wait3A = arith.constant 0 : i32
    %dma_wait3A_49 = tpu.memref_slice %arg5[%dma_wait3A] : memref<256xi32, #tpu.memory_space<vmem>> -> memref<16xi32, #tpu.memory_space<vmem>>
    %dma_wait3A_50 = arith.constant 0 : i32
    %dma_wait3A_51 = arith.constant 0 : i32
    %dma_wait3A_52 = tpu.memref_slice %arg3[%dma_wait3A_50, %dma_wait3A_51] : memref<50304x2048xf32, #tpu.memory_space<hbm>> -> memref<50304x2048xf32, #tpu.memory_space<hbm>>
    tpu.wait_indirect_dma semaphore(%arg9 : memref<!tpu.dma_semaphore, #tpu.memory_space<semaphore_mem>>) src(%dma_wait3A_52 : memref<50304x2048xf32, #tpu.memory_space<hbm>>) dst(%arg6 : memref<16x2048xf32, #tpu.memory_space<vmem>>)
    %add3A_53 = arith.constant 0 : i32
    %add3A_54 = arith.addi %mul3A_2, %add3A_53 : i32
    %dma_start3A_55 = arith.constant 0 : i32
    %dma_start3A_56 = tpu.memref_slice %arg4[%add3A_54, %dma_start3A_55] : memref<8192x2048xf32, #tpu.memory_space<hbm>> -> memref<16x2048xf32, #tpu.memory_space<hbm>>
    %dma_start3A_57 = arith.constant 0 : i32
    %dma_start3A_58 = tpu.memref_slice %arg4[%add3A_54, %dma_start3A_57] : memref<8192x2048xf32, #tpu.memory_space<hbm>> -> memref<16x2048xf32, #tpu.memory_space<hbm>>
    tpu.enqueue_dma source(%arg6 : memref<16x2048xf32, #tpu.memory_space<vmem>>) target(%dma_start3A_58 : memref<16x2048xf32, #tpu.memory_space<hbm>>) target_semaphore(%arg12 : memref<!tpu.dma_semaphore, #tpu.memory_space<semaphore_mem>>)
    %add3A_59 = arith.constant 0 : i32
    %add3A_60 = arith.addi %mul3A_2, %add3A_59 : i32
    %dma_wait3A_61 = arith.constant 0 : i32
    %dma_wait3A_62 = tpu.memref_slice %arg4[%add3A_60, %dma_wait3A_61] : memref<8192x2048xf32, #tpu.memory_space<hbm>> -> memref<16x2048xf32, #tpu.memory_space<hbm>>
    %dma_wait3A_63 = arith.constant 0 : i32
    %dma_wait3A_64 = tpu.memref_slice %arg4[%add3A_60, %dma_wait3A_63] : memref<8192x2048xf32, #tpu.memory_space<hbm>> -> memref<16x2048xf32, #tpu.memory_space<hbm>>
    tpu.wait_dma2 semaphore(%arg12 : memref<!tpu.dma_semaphore, #tpu.memory_space<semaphore_mem>>) src(%arg6 : memref<16x2048xf32, #tpu.memory_space<vmem>>) dst(%dma_wait3A_64 : memref<16x2048xf32, #tpu.memory_space<hbm>>)
    %dma_start3A_65 = arith.constant 48 : i32
    %dma_start3A_66 = tpu.memref_slice %arg5[%dma_start3A_65] : memref<256xi32, #tpu.memory_space<vmem>> -> memref<16xi32, #tpu.memory_space<vmem>>
    %dma_start3A_67 = arith.constant 0 : i32
    %dma_start3A_68 = arith.constant 0 : i32
    %dma_start3A_69 = tpu.memref_slice %arg3[%dma_start3A_67, %dma_start3A_68] : memref<50304x2048xf32, #tpu.memory_space<hbm>> -> memref<50304x2048xf32, #tpu.memory_space<hbm>>
    tpu.enqueue_indirect_dma source(%dma_start3A_69 : memref<50304x2048xf32, #tpu.memory_space<hbm>>) target(%arg6 : memref<16x2048xf32, #tpu.memory_space<vmem>>) offsets(%dma_start3A_66 : memref<16xi32, #tpu.memory_space<vmem>>) semaphore(%arg9 : memref<!tpu.dma_semaphore, #tpu.memory_space<semaphore_mem>>)
    %dma_wait3A_70 = arith.constant 16 : i32
    %dma_wait3A_71 = tpu.memref_slice %arg5[%dma_wait3A_70] : memref<256xi32, #tpu.memory_space<vmem>> -> memref<16xi32, #tpu.memory_space<vmem>>
    %dma_wait3A_72 = arith.constant 0 : i32
    %dma_wait3A_73 = arith.constant 0 : i32
    %dma_wait3A_74 = tpu.memref_slice %arg3[%dma_wait3A_72, %dma_wait3A_73] : memref<50304x2048xf32, #tpu.memory_space<hbm>> -> memref<50304x2048xf32, #tpu.memory_space<hbm>>
    tpu.wait_indirect_dma semaphore(%arg10 : memref<!tpu.dma_semaphore, #tpu.memory_space<semaphore_mem>>) src(%dma_wait3A_74 : memref<50304x2048xf32, #tpu.memory_space<hbm>>) dst(%arg7 : memref<16x2048xf32, #tpu.memory_space<vmem>>)
    %add3A_75 = arith.constant 16 : i32
    %add3A_76 = arith.addi %mul3A_2, %add3A_75 : i32
    %dma_start3A_77 = arith.constant 0 : i32
    %dma_start3A_78 = tpu.memref_slice %arg4[%add3A_76, %dma_start3A_77] : memref<8192x2048xf32, #tpu.memory_space<hbm>> -> memref<16x2048xf32, #tpu.memory_space<hbm>>
    %dma_start3A_79 = arith.constant 0 : i32
    %dma_start3A_80 = tpu.memref_slice %arg4[%add3A_76, %dma_start3A_79] : memref<8192x2048xf32, #tpu.memory_space<hbm>> -> memref<16x2048xf32, #tpu.memory_space<hbm>>
    tpu.enqueue_dma source(%arg7 : memref<16x2048xf32, #tpu.memory_space<vmem>>) target(%dma_start3A_80 : memref<16x2048xf32, #tpu.memory_space<hbm>>) target_semaphore(%arg13 : memref<!tpu.dma_semaphore, #tpu.memory_space<semaphore_mem>>)
    %add3A_81 = arith.constant 16 : i32
    %add3A_82 = arith.addi %mul3A_2, %add3A_81 : i32
    %dma_wait3A_83 = arith.constant 0 : i32
    %dma_wait3A_84 = tpu.memref_slice %arg4[%add3A_82, %dma_wait3A_83] : memref<8192x2048xf32, #tpu.memory_space<hbm>> -> memref<16x2048xf32, #tpu.memory_space<hbm>>
    %dma_wait3A_85 = arith.constant 0 : i32
    %dma_wait3A_86 = tpu.memref_slice %arg4[%add3A_82, %dma_wait3A_85] : memref<8192x2048xf32, #tpu.memory_space<hbm>> -> memref<16x2048xf32, #tpu.memory_space<hbm>>
    tpu.wait_dma2 semaphore(%arg13 : memref<!tpu.dma_semaphore, #tpu.memory_space<semaphore_mem>>) src(%arg7 : memref<16x2048xf32, #tpu.memory_space<vmem>>) dst(%dma_wait3A_86 : memref<16x2048xf32, #tpu.memory_space<hbm>>)
    %dma_start3A_87 = arith.constant 64 : i32
    %dma_start3A_88 = tpu.memref_slice %arg5[%dma_start3A_87] : memref<256xi32, #tpu.memory_space<vmem>> -> memref<16xi32, #tpu.memory_space<vmem>>
    %dma_start3A_89 = arith.constant 0 : i32
    %dma_start3A_90 = arith.constant 0 : i32
    %dma_start3A_91 = tpu.memref_slice %arg3[%dma_start3A_89, %dma_start3A_90] : memref<50304x2048xf32, #tpu.memory_space<hbm>> -> memref<50304x2048xf32, #tpu.memory_space<hbm>>
    tpu.enqueue_indirect_dma source(%dma_start3A_91 : memref<50304x2048xf32, #tpu.memory_space<hbm>>) target(%arg7 : memref<16x2048xf32, #tpu.memory_space<vmem>>) offsets(%dma_start3A_88 : memref<16xi32, #tpu.memory_space<vmem>>) semaphore(%arg10 : memref<!tpu.dma_semaphore, #tpu.memory_space<semaphore_mem>>)
    %dma_wait3A_92 = arith.constant 32 : i32
    %dma_wait3A_93 = tpu.memref_slice %arg5[%dma_wait3A_92] : memref<256xi32, #tpu.memory_space<vmem>> -> memref<16xi32, #tpu.memory_space<vmem>>
    %dma_wait3A_94 = arith.constant 0 : i32
    %dma_wait3A_95 = arith.constant 0 : i32
    %dma_wait3A_96 = tpu.memref_slice %arg3[%dma_wait3A_94, %dma_wait3A_95] : memref<50304x2048xf32, #tpu.memory_space<hbm>> -> memref<50304x2048xf32, #tpu.memory_space<hbm>>
    tpu.wait_indirect_dma semaphore(%arg11 : memref<!tpu.dma_semaphore, #tpu.memory_space<semaphore_mem>>) src(%dma_wait3A_96 : memref<50304x2048xf32, #tpu.memory_space<hbm>>) dst(%arg8 : memref<16x2048xf32, #tpu.memory_space<vmem>>)
    %add3A_97 = arith.constant 32 : i32
    %add3A_98 = arith.addi %mul3A_2, %add3A_97 : i32
    %dma_start3A_99 = arith.constant 0 : i32
    %dma_start3A_100 = tpu.memref_slice %arg4[%add3A_98, %dma_start3A_99] : memref<8192x2048xf32, #tpu.memory_space<hbm>> -> memref<16x2048xf32, #tpu.memory_space<hbm>>
    %dma_start3A_101 = arith.constant 0 : i32
    %dma_start3A_102 = tpu.memref_slice %arg4[%add3A_98, %dma_start3A_101] : memref<8192x2048xf32, #tpu.memory_space<hbm>> -> memref<16x2048xf32, #tpu.memory_space<hbm>>
    tpu.enqueue_dma source(%arg8 : memref<16x2048xf32, #tpu.memory_space<vmem>>) target(%dma_start3A_102 : memref<16x2048xf32, #tpu.memory_space<hbm>>) target_semaphore(%arg14 : memref<!tpu.dma_semaphore, #tpu.memory_space<semaphore_mem>>)
    %scan3A = arith.constant 0 : i32
    %scan3A_103 = arith.constant 1 : i32
    %scan3A_104 = arith.constant 3 : i32
    %scan3A_105 = arith.addi %scan3A_103, %scan3A_104 : i32
    %scan3A_106 = arith.constant 1 : i32
    scf.for %scan3A_192 = %scan3A_103 to %scan3A_105 step %scan3A_106  : i32 {
      %mul3A_193 = arith.constant 3 : i32
      %mul3A_194 = arith.muli %scan3A_192, %mul3A_193 : i32
      %add3A_195 = arith.constant 0 : i32
      %add3A_196 = arith.addi %mul3A_194, %add3A_195 : i32
      %sub3A_197 = arith.constant 1 : i32
      %sub3A_198 = arith.subi %add3A_196, %sub3A_197 : i32
      %mul3A_199 = arith.constant 16 : i32
      %mul3A_200 = arith.muli %sub3A_198, %mul3A_199 : i32
      %add3A_201 = arith.addi %mul3A_2, %mul3A_200 : i32
      %dma_wait3A_202 = arith.constant 0 : i32
      %dma_wait3A_203 = tpu.memref_slice %arg4[%add3A_201, %dma_wait3A_202] : memref<8192x2048xf32, #tpu.memory_space<hbm>> -> memref<16x2048xf32, #tpu.memory_space<hbm>>
      %dma_wait3A_204 = arith.constant 0 : i32
      %dma_wait3A_205 = tpu.memref_slice %arg4[%add3A_201, %dma_wait3A_204] : memref<8192x2048xf32, #tpu.memory_space<hbm>> -> memref<16x2048xf32, #tpu.memory_space<hbm>>
      tpu.wait_dma2 semaphore(%arg14 : memref<!tpu.dma_semaphore, #tpu.memory_space<semaphore_mem>>) src(%arg8 : memref<16x2048xf32, #tpu.memory_space<vmem>>) dst(%dma_wait3A_205 : memref<16x2048xf32, #tpu.memory_space<hbm>>)
      %add3A_206 = arith.constant 2 : i32
      %add3A_207 = arith.addi %add3A_196, %add3A_206 : i32
      %mul3A_208 = arith.constant 16 : i32
      %mul3A_209 = arith.muli %add3A_207, %mul3A_208 : i32
      %dma_start3A_210 = tpu.memref_slice %arg5[%mul3A_209] : memref<256xi32, #tpu.memory_space<vmem>> -> memref<16xi32, #tpu.memory_space<vmem>>
      %dma_start3A_211 = arith.constant 0 : i32
      %dma_start3A_212 = arith.constant 0 : i32
      %dma_start3A_213 = tpu.memref_slice %arg3[%dma_start3A_211, %dma_start3A_212] : memref<50304x2048xf32, #tpu.memory_space<hbm>> -> memref<50304x2048xf32, #tpu.memory_space<hbm>>
      tpu.enqueue_indirect_dma source(%dma_start3A_213 : memref<50304x2048xf32, #tpu.memory_space<hbm>>) target(%arg8 : memref<16x2048xf32, #tpu.memory_space<vmem>>) offsets(%dma_start3A_210 : memref<16xi32, #tpu.memory_space<vmem>>) semaphore(%arg11 : memref<!tpu.dma_semaphore, #tpu.memory_space<semaphore_mem>>)
      %mul3A_214 = arith.constant 16 : i32
      %mul3A_215 = arith.muli %add3A_196, %mul3A_214 : i32
      %dma_wait3A_216 = tpu.memref_slice %arg5[%mul3A_215] : memref<256xi32, #tpu.memory_space<vmem>> -> memref<16xi32, #tpu.memory_space<vmem>>
      %dma_wait3A_217 = arith.constant 0 : i32
      %dma_wait3A_218 = arith.constant 0 : i32
      %dma_wait3A_219 = tpu.memref_slice %arg3[%dma_wait3A_217, %dma_wait3A_218] : memref<50304x2048xf32, #tpu.memory_space<hbm>> -> memref<50304x2048xf32, #tpu.memory_space<hbm>>
      tpu.wait_indirect_dma semaphore(%arg9 : memref<!tpu.dma_semaphore, #tpu.memory_space<semaphore_mem>>) src(%dma_wait3A_219 : memref<50304x2048xf32, #tpu.memory_space<hbm>>) dst(%arg6 : memref<16x2048xf32, #tpu.memory_space<vmem>>)
      %mul3A_220 = arith.constant 16 : i32
      %mul3A_221 = arith.muli %add3A_196, %mul3A_220 : i32
      %add3A_222 = arith.addi %mul3A_2, %mul3A_221 : i32
      %dma_start3A_223 = arith.constant 0 : i32
      %dma_start3A_224 = tpu.memref_slice %arg4[%add3A_222, %dma_start3A_223] : memref<8192x2048xf32, #tpu.memory_space<hbm>> -> memref<16x2048xf32, #tpu.memory_space<hbm>>
      %dma_start3A_225 = arith.constant 0 : i32
      %dma_start3A_226 = tpu.memref_slice %arg4[%add3A_222, %dma_start3A_225] : memref<8192x2048xf32, #tpu.memory_space<hbm>> -> memref<16x2048xf32, #tpu.memory_space<hbm>>
      tpu.enqueue_dma source(%arg6 : memref<16x2048xf32, #tpu.memory_space<vmem>>) target(%dma_start3A_226 : memref<16x2048xf32, #tpu.memory_space<hbm>>) target_semaphore(%arg12 : memref<!tpu.dma_semaphore, #tpu.memory_space<semaphore_mem>>)
      %mul3A_227 = arith.constant 3 : i32
      %mul3A_228 = arith.muli %scan3A_192, %mul3A_227 : i32
      %add3A_229 = arith.constant 1 : i32
      %add3A_230 = arith.addi %mul3A_228, %add3A_229 : i32
      %sub3A_231 = arith.constant 1 : i32
      %sub3A_232 = arith.subi %add3A_230, %sub3A_231 : i32
      %mul3A_233 = arith.constant 16 : i32
      %mul3A_234 = arith.muli %sub3A_232, %mul3A_233 : i32
      %add3A_235 = arith.addi %mul3A_2, %mul3A_234 : i32
      %dma_wait3A_236 = arith.constant 0 : i32
      %dma_wait3A_237 = tpu.memref_slice %arg4[%add3A_235, %dma_wait3A_236] : memref<8192x2048xf32, #tpu.memory_space<hbm>> -> memref<16x2048xf32, #tpu.memory_space<hbm>>
      %dma_wait3A_238 = arith.constant 0 : i32
      %dma_wait3A_239 = tpu.memref_slice %arg4[%add3A_235, %dma_wait3A_238] : memref<8192x2048xf32, #tpu.memory_space<hbm>> -> memref<16x2048xf32, #tpu.memory_space<hbm>>
      tpu.wait_dma2 semaphore(%arg12 : memref<!tpu.dma_semaphore, #tpu.memory_space<semaphore_mem>>) src(%arg6 : memref<16x2048xf32, #tpu.memory_space<vmem>>) dst(%dma_wait3A_239 : memref<16x2048xf32, #tpu.memory_space<hbm>>)
      %add3A_240 = arith.constant 2 : i32
      %add3A_241 = arith.addi %add3A_230, %add3A_240 : i32
      %mul3A_242 = arith.constant 16 : i32
      %mul3A_243 = arith.muli %add3A_241, %mul3A_242 : i32
      %dma_start3A_244 = tpu.memref_slice %arg5[%mul3A_243] : memref<256xi32, #tpu.memory_space<vmem>> -> memref<16xi32, #tpu.memory_space<vmem>>
      %dma_start3A_245 = arith.constant 0 : i32
      %dma_start3A_246 = arith.constant 0 : i32
      %dma_start3A_247 = tpu.memref_slice %arg3[%dma_start3A_245, %dma_start3A_246] : memref<50304x2048xf32, #tpu.memory_space<hbm>> -> memref<50304x2048xf32, #tpu.memory_space<hbm>>
      tpu.enqueue_indirect_dma source(%dma_start3A_247 : memref<50304x2048xf32, #tpu.memory_space<hbm>>) target(%arg6 : memref<16x2048xf32, #tpu.memory_space<vmem>>) offsets(%dma_start3A_244 : memref<16xi32, #tpu.memory_space<vmem>>) semaphore(%arg9 : memref<!tpu.dma_semaphore, #tpu.memory_space<semaphore_mem>>)
      %mul3A_248 = arith.constant 16 : i32
      %mul3A_249 = arith.muli %add3A_230, %mul3A_248 : i32
      %dma_wait3A_250 = tpu.memref_slice %arg5[%mul3A_249] : memref<256xi32, #tpu.memory_space<vmem>> -> memref<16xi32, #tpu.memory_space<vmem>>
      %dma_wait3A_251 = arith.constant 0 : i32
      %dma_wait3A_252 = arith.constant 0 : i32
      %dma_wait3A_253 = tpu.memref_slice %arg3[%dma_wait3A_251, %dma_wait3A_252] : memref<50304x2048xf32, #tpu.memory_space<hbm>> -> memref<50304x2048xf32, #tpu.memory_space<hbm>>
      tpu.wait_indirect_dma semaphore(%arg10 : memref<!tpu.dma_semaphore, #tpu.memory_space<semaphore_mem>>) src(%dma_wait3A_253 : memref<50304x2048xf32, #tpu.memory_space<hbm>>) dst(%arg7 : memref<16x2048xf32, #tpu.memory_space<vmem>>)
      %mul3A_254 = arith.constant 16 : i32
      %mul3A_255 = arith.muli %add3A_230, %mul3A_254 : i32
      %add3A_256 = arith.addi %mul3A_2, %mul3A_255 : i32
      %dma_start3A_257 = arith.constant 0 : i32
      %dma_start3A_258 = tpu.memref_slice %arg4[%add3A_256, %dma_start3A_257] : memref<8192x2048xf32, #tpu.memory_space<hbm>> -> memref<16x2048xf32, #tpu.memory_space<hbm>>
      %dma_start3A_259 = arith.constant 0 : i32
      %dma_start3A_260 = tpu.memref_slice %arg4[%add3A_256, %dma_start3A_259] : memref<8192x2048xf32, #tpu.memory_space<hbm>> -> memref<16x2048xf32, #tpu.memory_space<hbm>>
      tpu.enqueue_dma source(%arg7 : memref<16x2048xf32, #tpu.memory_space<vmem>>) target(%dma_start3A_260 : memref<16x2048xf32, #tpu.memory_space<hbm>>) target_semaphore(%arg13 : memref<!tpu.dma_semaphore, #tpu.memory_space<semaphore_mem>>)
      %mul3A_261 = arith.constant 3 : i32
      %mul3A_262 = arith.muli %scan3A_192, %mul3A_261 : i32
      %add3A_263 = arith.constant 2 : i32
      %add3A_264 = arith.addi %mul3A_262, %add3A_263 : i32
      %sub3A_265 = arith.constant 1 : i32
      %sub3A_266 = arith.subi %add3A_264, %sub3A_265 : i32
      %mul3A_267 = arith.constant 16 : i32
      %mul3A_268 = arith.muli %sub3A_266, %mul3A_267 : i32
      %add3A_269 = arith.addi %mul3A_2, %mul3A_268 : i32
      %dma_wait3A_270 = arith.constant 0 : i32
      %dma_wait3A_271 = tpu.memref_slice %arg4[%add3A_269, %dma_wait3A_270] : memref<8192x2048xf32, #tpu.memory_space<hbm>> -> memref<16x2048xf32, #tpu.memory_space<hbm>>
      %dma_wait3A_272 = arith.constant 0 : i32
      %dma_wait3A_273 = tpu.memref_slice %arg4[%add3A_269, %dma_wait3A_272] : memref<8192x2048xf32, #tpu.memory_space<hbm>> -> memref<16x2048xf32, #tpu.memory_space<hbm>>
      tpu.wait_dma2 semaphore(%arg13 : memref<!tpu.dma_semaphore, #tpu.memory_space<semaphore_mem>>) src(%arg7 : memref<16x2048xf32, #tpu.memory_space<vmem>>) dst(%dma_wait3A_273 : memref<16x2048xf32, #tpu.memory_space<hbm>>)
      %add3A_274 = arith.constant 2 : i32
      %add3A_275 = arith.addi %add3A_264, %add3A_274 : i32
      %mul3A_276 = arith.constant 16 : i32
      %mul3A_277 = arith.muli %add3A_275, %mul3A_276 : i32
      %dma_start3A_278 = tpu.memref_slice %arg5[%mul3A_277] : memref<256xi32, #tpu.memory_space<vmem>> -> memref<16xi32, #tpu.memory_space<vmem>>
      %dma_start3A_279 = arith.constant 0 : i32
      %dma_start3A_280 = arith.constant 0 : i32
      %dma_start3A_281 = tpu.memref_slice %arg3[%dma_start3A_279, %dma_start3A_280] : memref<50304x2048xf32, #tpu.memory_space<hbm>> -> memref<50304x2048xf32, #tpu.memory_space<hbm>>
      tpu.enqueue_indirect_dma source(%dma_start3A_281 : memref<50304x2048xf32, #tpu.memory_space<hbm>>) target(%arg7 : memref<16x2048xf32, #tpu.memory_space<vmem>>) offsets(%dma_start3A_278 : memref<16xi32, #tpu.memory_space<vmem>>) semaphore(%arg10 : memref<!tpu.dma_semaphore, #tpu.memory_space<semaphore_mem>>)
      %mul3A_282 = arith.constant 16 : i32
      %mul3A_283 = arith.muli %add3A_264, %mul3A_282 : i32
      %dma_wait3A_284 = tpu.memref_slice %arg5[%mul3A_283] : memref<256xi32, #tpu.memory_space<vmem>> -> memref<16xi32, #tpu.memory_space<vmem>>
      %dma_wait3A_285 = arith.constant 0 : i32
      %dma_wait3A_286 = arith.constant 0 : i32
      %dma_wait3A_287 = tpu.memref_slice %arg3[%dma_wait3A_285, %dma_wait3A_286] : memref<50304x2048xf32, #tpu.memory_space<hbm>> -> memref<50304x2048xf32, #tpu.memory_space<hbm>>
      tpu.wait_indirect_dma semaphore(%arg11 : memref<!tpu.dma_semaphore, #tpu.memory_space<semaphore_mem>>) src(%dma_wait3A_287 : memref<50304x2048xf32, #tpu.memory_space<hbm>>) dst(%arg8 : memref<16x2048xf32, #tpu.memory_space<vmem>>)
      %mul3A_288 = arith.constant 16 : i32
      %mul3A_289 = arith.muli %add3A_264, %mul3A_288 : i32
      %add3A_290 = arith.addi %mul3A_2, %mul3A_289 : i32
      %dma_start3A_291 = arith.constant 0 : i32
      %dma_start3A_292 = tpu.memref_slice %arg4[%add3A_290, %dma_start3A_291] : memref<8192x2048xf32, #tpu.memory_space<hbm>> -> memref<16x2048xf32, #tpu.memory_space<hbm>>
      %dma_start3A_293 = arith.constant 0 : i32
      %dma_start3A_294 = tpu.memref_slice %arg4[%add3A_290, %dma_start3A_293] : memref<8192x2048xf32, #tpu.memory_space<hbm>> -> memref<16x2048xf32, #tpu.memory_space<hbm>>
      tpu.enqueue_dma source(%arg8 : memref<16x2048xf32, #tpu.memory_space<vmem>>) target(%dma_start3A_294 : memref<16x2048xf32, #tpu.memory_space<hbm>>) target_semaphore(%arg14 : memref<!tpu.dma_semaphore, #tpu.memory_space<semaphore_mem>>)
    }
    %scan3A_107 = arith.constant 3 : i32
    %add3A_108 = arith.constant 176 : i32
    %add3A_109 = arith.addi %mul3A_2, %add3A_108 : i32
    %dma_wait3A_110 = arith.constant 0 : i32
    %dma_wait3A_111 = tpu.memref_slice %arg4[%add3A_109, %dma_wait3A_110] : memref<8192x2048xf32, #tpu.memory_space<hbm>> -> memref<16x2048xf32, #tpu.memory_space<hbm>>
    %dma_wait3A_112 = arith.constant 0 : i32
    %dma_wait3A_113 = tpu.memref_slice %arg4[%add3A_109, %dma_wait3A_112] : memref<8192x2048xf32, #tpu.memory_space<hbm>> -> memref<16x2048xf32, #tpu.memory_space<hbm>>
    tpu.wait_dma2 semaphore(%arg14 : memref<!tpu.dma_semaphore, #tpu.memory_space<semaphore_mem>>) src(%arg8 : memref<16x2048xf32, #tpu.memory_space<vmem>>) dst(%dma_wait3A_113 : memref<16x2048xf32, #tpu.memory_space<hbm>>)
    %dma_start3A_114 = arith.constant 224 : i32
    %dma_start3A_115 = tpu.memref_slice %arg5[%dma_start3A_114] : memref<256xi32, #tpu.memory_space<vmem>> -> memref<16xi32, #tpu.memory_space<vmem>>
    %dma_start3A_116 = arith.constant 0 : i32
    %dma_start3A_117 = arith.constant 0 : i32
    %dma_start3A_118 = tpu.memref_slice %arg3[%dma_start3A_116, %dma_start3A_117] : memref<50304x2048xf32, #tpu.memory_space<hbm>> -> memref<50304x2048xf32, #tpu.memory_space<hbm>>
    tpu.enqueue_indirect_dma source(%dma_start3A_118 : memref<50304x2048xf32, #tpu.memory_space<hbm>>) target(%arg8 : memref<16x2048xf32, #tpu.memory_space<vmem>>) offsets(%dma_start3A_115 : memref<16xi32, #tpu.memory_space<vmem>>) semaphore(%arg11 : memref<!tpu.dma_semaphore, #tpu.memory_space<semaphore_mem>>)
    %dma_wait3A_119 = arith.constant 192 : i32
    %dma_wait3A_120 = tpu.memref_slice %arg5[%dma_wait3A_119] : memref<256xi32, #tpu.memory_space<vmem>> -> memref<16xi32, #tpu.memory_space<vmem>>
    %dma_wait3A_121 = arith.constant 0 : i32
    %dma_wait3A_122 = arith.constant 0 : i32
    %dma_wait3A_123 = tpu.memref_slice %arg3[%dma_wait3A_121, %dma_wait3A_122] : memref<50304x2048xf32, #tpu.memory_space<hbm>> -> memref<50304x2048xf32, #tpu.memory_space<hbm>>
    tpu.wait_indirect_dma semaphore(%arg9 : memref<!tpu.dma_semaphore, #tpu.memory_space<semaphore_mem>>) src(%dma_wait3A_123 : memref<50304x2048xf32, #tpu.memory_space<hbm>>) dst(%arg6 : memref<16x2048xf32, #tpu.memory_space<vmem>>)
    %add3A_124 = arith.constant 192 : i32
    %add3A_125 = arith.addi %mul3A_2, %add3A_124 : i32
    %dma_start3A_126 = arith.constant 0 : i32
    %dma_start3A_127 = tpu.memref_slice %arg4[%add3A_125, %dma_start3A_126] : memref<8192x2048xf32, #tpu.memory_space<hbm>> -> memref<16x2048xf32, #tpu.memory_space<hbm>>
    %dma_start3A_128 = arith.constant 0 : i32
    %dma_start3A_129 = tpu.memref_slice %arg4[%add3A_125, %dma_start3A_128] : memref<8192x2048xf32, #tpu.memory_space<hbm>> -> memref<16x2048xf32, #tpu.memory_space<hbm>>
    tpu.enqueue_dma source(%arg6 : memref<16x2048xf32, #tpu.memory_space<vmem>>) target(%dma_start3A_129 : memref<16x2048xf32, #tpu.memory_space<hbm>>) target_semaphore(%arg12 : memref<!tpu.dma_semaphore, #tpu.memory_space<semaphore_mem>>)
    %add3A_130 = arith.constant 192 : i32
    %add3A_131 = arith.addi %mul3A_2, %add3A_130 : i32
    %dma_wait3A_132 = arith.constant 0 : i32
    %dma_wait3A_133 = tpu.memref_slice %arg4[%add3A_131, %dma_wait3A_132] : memref<8192x2048xf32, #tpu.memory_space<hbm>> -> memref<16x2048xf32, #tpu.memory_space<hbm>>
    %dma_wait3A_134 = arith.constant 0 : i32
    %dma_wait3A_135 = tpu.memref_slice %arg4[%add3A_131, %dma_wait3A_134] : memref<8192x2048xf32, #tpu.memory_space<hbm>> -> memref<16x2048xf32, #tpu.memory_space<hbm>>
    tpu.wait_dma2 semaphore(%arg12 : memref<!tpu.dma_semaphore, #tpu.memory_space<semaphore_mem>>) src(%arg6 : memref<16x2048xf32, #tpu.memory_space<vmem>>) dst(%dma_wait3A_135 : memref<16x2048xf32, #tpu.memory_space<hbm>>)
    %dma_start3A_136 = arith.constant 240 : i32
    %dma_start3A_137 = tpu.memref_slice %arg5[%dma_start3A_136] : memref<256xi32, #tpu.memory_space<vmem>> -> memref<16xi32, #tpu.memory_space<vmem>>
    %dma_start3A_138 = arith.constant 0 : i32
    %dma_start3A_139 = arith.constant 0 : i32
    %dma_start3A_140 = tpu.memref_slice %arg3[%dma_start3A_138, %dma_start3A_139] : memref<50304x2048xf32, #tpu.memory_space<hbm>> -> memref<50304x2048xf32, #tpu.memory_space<hbm>>
    tpu.enqueue_indirect_dma source(%dma_start3A_140 : memref<50304x2048xf32, #tpu.memory_space<hbm>>) target(%arg6 : memref<16x2048xf32, #tpu.memory_space<vmem>>) offsets(%dma_start3A_137 : memref<16xi32, #tpu.memory_space<vmem>>) semaphore(%arg9 : memref<!tpu.dma_semaphore, #tpu.memory_space<semaphore_mem>>)
    %dma_wait3A_141 = arith.constant 208 : i32
    %dma_wait3A_142 = tpu.memref_slice %arg5[%dma_wait3A_141] : memref<256xi32, #tpu.memory_space<vmem>> -> memref<16xi32, #tpu.memory_space<vmem>>
    %dma_wait3A_143 = arith.constant 0 : i32
    %dma_wait3A_144 = arith.constant 0 : i32
    %dma_wait3A_145 = tpu.memref_slice %arg3[%dma_wait3A_143, %dma_wait3A_144] : memref<50304x2048xf32, #tpu.memory_space<hbm>> -> memref<50304x2048xf32, #tpu.memory_space<hbm>>
    tpu.wait_indirect_dma semaphore(%arg10 : memref<!tpu.dma_semaphore, #tpu.memory_space<semaphore_mem>>) src(%dma_wait3A_145 : memref<50304x2048xf32, #tpu.memory_space<hbm>>) dst(%arg7 : memref<16x2048xf32, #tpu.memory_space<vmem>>)
    %add3A_146 = arith.constant 208 : i32
    %add3A_147 = arith.addi %mul3A_2, %add3A_146 : i32
    %dma_start3A_148 = arith.constant 0 : i32
    %dma_start3A_149 = tpu.memref_slice %arg4[%add3A_147, %dma_start3A_148] : memref<8192x2048xf32, #tpu.memory_space<hbm>> -> memref<16x2048xf32, #tpu.memory_space<hbm>>
    %dma_start3A_150 = arith.constant 0 : i32
    %dma_start3A_151 = tpu.memref_slice %arg4[%add3A_147, %dma_start3A_150] : memref<8192x2048xf32, #tpu.memory_space<hbm>> -> memref<16x2048xf32, #tpu.memory_space<hbm>>
    tpu.enqueue_dma source(%arg7 : memref<16x2048xf32, #tpu.memory_space<vmem>>) target(%dma_start3A_151 : memref<16x2048xf32, #tpu.memory_space<hbm>>) target_semaphore(%arg13 : memref<!tpu.dma_semaphore, #tpu.memory_space<semaphore_mem>>)
    %dma_wait3A_152 = arith.constant 224 : i32
    %dma_wait3A_153 = tpu.memref_slice %arg5[%dma_wait3A_152] : memref<256xi32, #tpu.memory_space<vmem>> -> memref<16xi32, #tpu.memory_space<vmem>>
    %dma_wait3A_154 = arith.constant 0 : i32
    %dma_wait3A_155 = arith.constant 0 : i32
    %dma_wait3A_156 = tpu.memref_slice %arg3[%dma_wait3A_154, %dma_wait3A_155] : memref<50304x2048xf32, #tpu.memory_space<hbm>> -> memref<50304x2048xf32, #tpu.memory_space<hbm>>
    tpu.wait_indirect_dma semaphore(%arg11 : memref<!tpu.dma_semaphore, #tpu.memory_space<semaphore_mem>>) src(%dma_wait3A_156 : memref<50304x2048xf32, #tpu.memory_space<hbm>>) dst(%arg8 : memref<16x2048xf32, #tpu.memory_space<vmem>>)
    %add3A_157 = arith.constant 224 : i32
    %add3A_158 = arith.addi %mul3A_2, %add3A_157 : i32
    %dma_start3A_159 = arith.constant 0 : i32
    %dma_start3A_160 = tpu.memref_slice %arg4[%add3A_158, %dma_start3A_159] : memref<8192x2048xf32, #tpu.memory_space<hbm>> -> memref<16x2048xf32, #tpu.memory_space<hbm>>
    %dma_start3A_161 = arith.constant 0 : i32
    %dma_start3A_162 = tpu.memref_slice %arg4[%add3A_158, %dma_start3A_161] : memref<8192x2048xf32, #tpu.memory_space<hbm>> -> memref<16x2048xf32, #tpu.memory_space<hbm>>
    tpu.enqueue_dma source(%arg8 : memref<16x2048xf32, #tpu.memory_space<vmem>>) target(%dma_start3A_162 : memref<16x2048xf32, #tpu.memory_space<hbm>>) target_semaphore(%arg14 : memref<!tpu.dma_semaphore, #tpu.memory_space<semaphore_mem>>)
    %dma_wait3A_163 = arith.constant 240 : i32
    %dma_wait3A_164 = tpu.memref_slice %arg5[%dma_wait3A_163] : memref<256xi32, #tpu.memory_space<vmem>> -> memref<16xi32, #tpu.memory_space<vmem>>
    %dma_wait3A_165 = arith.constant 0 : i32
    %dma_wait3A_166 = arith.constant 0 : i32
    %dma_wait3A_167 = tpu.memref_slice %arg3[%dma_wait3A_165, %dma_wait3A_166] : memref<50304x2048xf32, #tpu.memory_space<hbm>> -> memref<50304x2048xf32, #tpu.memory_space<hbm>>
    tpu.wait_indirect_dma semaphore(%arg9 : memref<!tpu.dma_semaphore, #tpu.memory_space<semaphore_mem>>) src(%dma_wait3A_167 : memref<50304x2048xf32, #tpu.memory_space<hbm>>) dst(%arg6 : memref<16x2048xf32, #tpu.memory_space<vmem>>)
    %add3A_168 = arith.constant 240 : i32
    %add3A_169 = arith.addi %mul3A_2, %add3A_168 : i32
    %dma_start3A_170 = arith.constant 0 : i32
    %dma_start3A_171 = tpu.memref_slice %arg4[%add3A_169, %dma_start3A_170] : memref<8192x2048xf32, #tpu.memory_space<hbm>> -> memref<16x2048xf32, #tpu.memory_space<hbm>>
    %dma_start3A_172 = arith.constant 0 : i32
    %dma_start3A_173 = tpu.memref_slice %arg4[%add3A_169, %dma_start3A_172] : memref<8192x2048xf32, #tpu.memory_space<hbm>> -> memref<16x2048xf32, #tpu.memory_space<hbm>>
    tpu.enqueue_dma source(%arg6 : memref<16x2048xf32, #tpu.memory_space<vmem>>) target(%dma_start3A_173 : memref<16x2048xf32, #tpu.memory_space<hbm>>) target_semaphore(%arg12 : memref<!tpu.dma_semaphore, #tpu.memory_space<semaphore_mem>>)
    %add3A_174 = arith.constant 208 : i32
    %add3A_175 = arith.addi %mul3A_2, %add3A_174 : i32
    %dma_wait3A_176 = arith.constant 0 : i32
    %dma_wait3A_177 = tpu.memref_slice %arg4[%add3A_175, %dma_wait3A_176] : memref<8192x2048xf32, #tpu.memory_space<hbm>> -> memref<16x2048xf32, #tpu.memory_space<hbm>>
    %dma_wait3A_178 = arith.constant 0 : i32
    %dma_wait3A_179 = tpu.memref_slice %arg4[%add3A_175, %dma_wait3A_178] : memref<8192x2048xf32, #tpu.memory_space<hbm>> -> memref<16x2048xf32, #tpu.memory_space<hbm>>
    tpu.wait_dma2 semaphore(%arg13 : memref<!tpu.dma_semaphore, #tpu.memory_space<semaphore_mem>>) src(%arg7 : memref<16x2048xf32, #tpu.memory_space<vmem>>) dst(%dma_wait3A_179 : memref<16x2048xf32, #tpu.memory_space<hbm>>)
    %add3A_180 = arith.constant 224 : i32
    %add3A_181 = arith.addi %mul3A_2, %add3A_180 : i32
    %dma_wait3A_182 = arith.constant 0 : i32
    %dma_wait3A_183 = tpu.memref_slice %arg4[%add3A_181, %dma_wait3A_182] : memref<8192x2048xf32, #tpu.memory_space<hbm>> -> memref<16x2048xf32, #tpu.memory_space<hbm>>
    %dma_wait3A_184 = arith.constant 0 : i32
    %dma_wait3A_185 = tpu.memref_slice %arg4[%add3A_181, %dma_wait3A_184] : memref<8192x2048xf32, #tpu.memory_space<hbm>> -> memref<16x2048xf32, #tpu.memory_space<hbm>>
    tpu.wait_dma2 semaphore(%arg14 : memref<!tpu.dma_semaphore, #tpu.memory_space<semaphore_mem>>) src(%arg8 : memref<16x2048xf32, #tpu.memory_space<vmem>>) dst(%dma_wait3A_185 : memref<16x2048xf32, #tpu.memory_space<hbm>>)
    %add3A_186 = arith.constant 240 : i32
    %add3A_187 = arith.addi %mul3A_2, %add3A_186 : i32
    %dma_wait3A_188 = arith.constant 0 : i32
    %dma_wait3A_189 = tpu.memref_slice %arg4[%add3A_187, %dma_wait3A_188] : memref<8192x2048xf32, #tpu.memory_space<hbm>> -> memref<16x2048xf32, #tpu.memory_space<hbm>>
    %dma_wait3A_190 = arith.constant 0 : i32
    %dma_wait3A_191 = tpu.memref_slice %arg4[%add3A_187, %dma_wait3A_190] : memref<8192x2048xf32, #tpu.memory_space<hbm>> -> memref<16x2048xf32, #tpu.memory_space<hbm>>
    tpu.wait_dma2 semaphore(%arg12 : memref<!tpu.dma_semaphore, #tpu.memory_space<semaphore_mem>>) src(%arg6 : memref<16x2048xf32, #tpu.memory_space<vmem>>) dst(%dma_wait3A_191 : memref<16x2048xf32, #tpu.memory_space<hbm>>)
    return
  }
}

</mosaic_0001>

<sc_bundles>
// kernel: kernel.3.cloned.1.call-start
scs
__scs_entry_jumppad:
0x0: {  	(pc) =	sbr.rel $0x88, $3  }
0x1: {  	(tag) =	ssettag $0x0;
	lr =	simm.s32 $0x1  }
0x2: {  	[smem:$0x3F9F] =	sst lr;
	_ =	strace $0xD0000000  }
0x3: {  	_ = 	snop  }
0x4: {  	_ = 	snop  }
0x5: {  	_ = 	snop  }
0x6: {  	_ = 	snop  }
0x7: {  	_ = 	snop  }
__scs_overlays_trampoline_lowered:
0x8: {  	[smem:$0x3FAE] =	sst s0  }
0x9: {  	[smem:$0x3FAF] =	sst s1  }
0xa: {  	[smem:$0x3FB0] =	sst s2  }
0xb: {  	[smem:$0x3FB1] =	sst s3  }
0xc: {  	[smem:$0x3FB2] =	sst s4  }
0xd: {  	[smem:$0x3FB3] =	sst s5  }
0xe: {  	[smem:$0x3FB4] =	sst s6  }
0xf: {  	[smem:$0x3FB5] =	sst s7  }
0x10: {  	[smem:$0x3FB6] =	sst s8  }
0x11: {  	[smem:$0x3FB7] =	sst s9;
	s0 =	simm.s32 @!p0 $0x0  }
0x12: {  	s1 =	sld [smem:$0x3F9D];
	s0 =	simm.s32 @p0 $0x1  }
0x13: {  	[smem:$0x3FB8] =	sst s0;
	s0 =	simm.s32 @!p1 $0x0  }
0x14: {  	s2 =	sld [smem:$0x3F9C];
	s0 =	simm.s32 @p1 $0x1  }
0x15: {  	[smem:$0x3FB9] =	sst s0;
	s0 =	simm.s32 @!p2 $0x0  }
0x16: {  	s3 =	sld [smem:$0x3FDB];
	s0 =	simm.s32 @p2 $0x1  }
0x17: {  	s4 =	simm.s32 $0x1BF5;
	[smem:$0x3FBB] =	sst s0  }
0x18: {  	s0 =	sld [smem:$0x3F9E];
	_ =	swait.ge [sflag:s4], $0x0  }
0x19: {  	s7 =	sld [smem:$0x3F9F]  }
0x1a: {  	s8 =	sadd.s32 $0xFFFFE003, lr  }
0x1b: {  	s9 =	sadd.s32 $0xFFFFFEF7, lr;
	s5 =	simm.s32 $0xFFFFFFFF;
	p2 =	slt.u32 s8, $0xFFFFF086  }
0x1c: {  	p1 =	slt.u32 s9, $0xF7A;
	s5 =	simm.s32 @!p2 $0x0  }
0x1d: {  	s5 =	simm.s32 @p1 $0x1;
	p0 =	seq.s32 s7, s2  }
0x1e: {  	s7 =	smul.u32 @!p0 $0xF7A, s2;
	p2 =	seq.s32 @!p0 s5, $0x0  }
0x1f: {  	s9 =	smul.u32 $0xF7A, s1;
	s8 =	simm.s32 @!p0 $0x1BF5;
	p2 =	por !p2, p0  }
0x20: {  	[sflag:s8] =	ssyncset.s32 @!p0 $0xFFFFF086;
	s6 =	sadd.s32 @!p0 s3, s7;
	s7 =	simm.s32 @!p0 $0x108  }
0x21: {  	s3 =	sadd.s32 s3, s9;
	s6 =	sadd.s32 @!p0 $0x88, s6;
	s7 =	simm.s32 @p2 $0x1082  }
0x22: {  	[simem:s7], [sflag:s8] =	dma.local @!p0 [hbm:s6], $0xF7A  }
0x23: {  	s9 =	sor.u32 $0xD0000000, s2;
	s6 =	simm.s32 $0x108;
	_ =	swait.ge @!p0 [sflag:s8], $0x0  }
0x24: {  	s3 =	sadd.s32 $0x88, s3;
	s6 =	simm.s32 @!p1 $0x1082;
	[sflag:s4] =	ssyncset.s32 $0xFFFFF086  }
0x25: {  	[simem:s6], [sflag:s4] =	dma.local [hbm:s3], $0xF7A  }
0x26: {  	[smem:$0x3F9F] =	sst s1;
	(tag) =	ssettag s2;
	_ =	strace s9  }
0x27: {  	s1 =	sld [smem:$0x3FAF]  }
0x28: {  	s2 =	sld [smem:$0x3FB0]  }
0x29: {  	s4 =	sld [smem:$0x3FB2]  }
0x2a: {  	p0 =	seq.s32 s5, $0x0;
	s5 =	sld [smem:$0x3FB3]  }
0x2b: {  	s6 =	sld [smem:$0x3FB4]  }
0x2c: {  	s7 =	sld [smem:$0x3FB5]  }
0x2d: {  	s3 =	simm.s32 $0x108;
	s8 =	sld [smem:$0x3FB6]  }
0x2e: {  	s3 =	simm.s32 @!p0 $0x1082;
	s9 =	sld [smem:$0x3FB7]  }
0x2f: {  	lr =	sadd.s32 s0, s3;
	s0 =	sld [smem:$0x3FAE]  }
0x30: {  	s3 =	sld [smem:$0x3FB1]  }
0x31: {  	[smem:$0x3FBA] =	sst s10  }
0x32: {  	s10 =	sld [smem:$0x3FB8];
	_ =	sdelay $0x3  }
0x33: {  	p0 =	seq.s32 s10, $0x1;
	s10 =	sld [smem:$0x3FBA];
	_ =	sdelay $0x3  }
0x34: {  	[smem:$0x3FBA] =	sst s10  }
0x35: {  	s10 =	sld [smem:$0x3FB9];
	_ =	sdelay $0x3  }
0x36: {  	p1 =	seq.s32 s10, $0x1;
	s10 =	sld [smem:$0x3FBA];
	_ =	sdelay $0x3  }
0x37: {  	[smem:$0x3FBA] =	sst s10  }
0x38: {  	s10 =	sld [smem:$0x3FBB]  }
0x39: {  	_ = 	snop;
	(pc) =	sbr.ind lr, $3  }
0x3a: {  	_ = 	snop  }
0x3b: {  	_ = 	snop  }
0x3c: {  	p2 =	seq.s32 s10, $0x1;
	s10 =	sld [smem:$0x3FBA]  }
0x3d: {  	_ =	shalt  }
0x3e: {  	_ =	shalt  }
0x3f: {  	_ =	shalt  }
0x40: {  	_ =	shalt  }
0x41: {  	_ =	shalt  }
0x42: {  	_ =	shalt  }
0x43: {  	_ =	shalt  }
0x44: {  	_ =	shalt  }
0x45: {  	_ =	shalt  }
0x46: {  	_ =	shalt  }
0x47: {  	_ =	shalt  }
0x48: {  	_ =	shalt  }
0x49: {  	_ =	shalt  }
0x4a: {  	_ =	shalt  }
0x4b: {  	_ =	shalt  }
0x4c: {  	_ =	shalt  }
0x4d: {  	_ =	shalt  }
0x4e: {  	_ =	shalt  }
0x4f: {  	_ =	shalt  }
0x50: {  	_ =	shalt  }
0x51: {  	_ =	shalt  }
0x52: {  	_ =	shalt  }
0x53: {  	_ =	shalt  }
0x54: {  	_ =	shalt  }
0x55: {  	_ =	shalt  }
0x56: {  	_ =	shalt  }
0x57: {  	_ =	shalt  }
0x58: {  	_ =	shalt  }
0x59: {  	_ =	shalt  }
0x5a: {  	_ =	shalt  }
0x5b: {  	_ =	shalt  }
0x5c: {  	_ =	shalt  }
0x5d: {  	_ =	shalt  }
0x5e: {  	_ =	shalt  }
0x5f: {  	_ =	shalt  }
0x60: {  	_ =	shalt  }
0x61: {  	_ =	shalt  }
0x62: {  	_ =	shalt  }
0x63: {  	_ =	shalt  }
0x64: {  	_ =	shalt  }
0x65: {  	_ =	shalt  }
0x66: {  	_ =	shalt  }
0x67: {  	_ =	shalt  }
0x68: {  	_ =	shalt  }
0x69: {  	_ =	shalt  }
0x6a: {  	_ =	shalt  }
0x6b: {  	_ =	shalt  }
0x6c: {  	_ =	shalt  }
0x6d: {  	_ =	shalt  }
0x6e: {  	_ =	shalt  }
0x6f: {  	_ =	shalt  }
0x70: {  	_ =	shalt  }
0x71: {  	_ =	shalt  }
0x72: {  	_ =	shalt  }
0x73: {  	_ =	shalt  }
0x74: {  	_ =	shalt  }
0x75: {  	_ =	shalt  }
0x76: {  	_ =	shalt  }
0x77: {  	_ =	shalt  }
0x78: {  	_ =	shalt  }
0x79: {  	_ =	shalt  }
0x7a: {  	_ =	shalt  }
0x7b: {  	_ =	shalt  }
0x7c: {  	_ =	shalt  }
0x7d: {  	_ =	shalt  }
0x7e: {  	_ =	shalt  }
0x7f: {  	_ =	shalt  }
0x80: {  	_ =	shalt  }
0x81: {  	_ =	shalt  }
0x82: {  	_ =	shalt  }
0x83: {  	_ =	shalt  }
0x84: {  	_ =	shalt  }
0x85: {  	_ =	shalt  }
0x86: {  	_ =	shalt  }
0x87: {  	_ =	shalt  }
.Lfunc_end0:
.L_simem_size_0:
called_computation_lowered:
.L_overlay_start_0:
0x88: {  	s2 =	sld [smem:$0x3FD9]  }
0x89: {  	s3 =	sld [smem:$0x3FFE];
	_ =	sdelay $0x1  }
0x8a: {  	s1 =	srdreg.scid  }
0x8b: {  	s0 =	sand.u32 $0x1, s1  }
0x8c: {  	s18 =	sshll.u32 s0, $0xA;
	s2 =	sadd.s32 s3, s2  }
0x8d: {  	s2 =	sadd.s32 s2, s18  }
0x8e: {  	[smem:$0x3FC6] =	sst s2  }
0x8f: {  	_ = 	snop  }
0x90: {  	s2 =	sld [smem:$0x3FC9]  }
0x91: {  	s19 =	sld [smem:$0x3FC8]  }
0x92: {  	s4 =	sld [smem:$0x3FD0];
	(tm) =	ssettm $0x1  }
0x93: {  	s5 =	sld [smem:$0x3FFB];
	_ =	sdelay $0x3  }
0x94: {  	_ =	strace s5  }
0x95: {  	s5 =	sld [smem:$0x3FFC];
	_ =	sdelay $0x3  }
0x96: {  	_ =	strace s5  }
0x97: {  	s5 =	sld [smem:$0x3FFD];
	_ =	sdelay $0x3  }
0x98: {  	_ =	strace s5  }
0x99: {  	_ =	strace $0x8FFFFFFF  }
0x9a: {  	s20 =	sld [smem:$0x3FDB];
	_ =	sdelay $0x1  }
0x9b: {  	s6 =	simm.s32 $_scs_section_size  }
0x9c: {  	s7 =	simm.s32 $_size__tile_overlayer_lowered;
	s8 =	simm.s32 $_tile_overlayer_lowered  }
0x9d: {  	s23 =	simm.s32 $0x1BFF;
	s22 =	sshll.u32 s8, $0x1;
	s5 =	sadd.s32 s6, s20  }
0x9e: {  	s9 =	simm.s32 $0x0;
	s21 =	sshll.u32 s7, $0x1;
	s7 =	sadd.s32 s22, s5  }
0x9f: {  	[timem:s9], [sflag:s23] =	dma.local [hbm:s7], s21  }
0xa0: {  	_ =	swait.ge [sflag:s23], s21  }
0xa1: {  	s6 =	ssub.s32 $0x0, s21;
	[sflag:s23] =	ssyncset.done $0x0  }
0xa2: {  	[sflag:s23] =	ssyncadd.s32 s6;
	_ =	sdelay $0x1  }
0xa3: {  	s24 =	simm.s32 $0x1B8B  }
0xa4: {  	_ =	swait.ge [sflag:s24], $0x1  }
0xa5: {  	[sflag:s24] =	ssyncset.done $0x0  }
0xa6: {  	s25 =	simm.s32 $0x1B8E;
	[sflag:s24] =	ssyncadd.s32 $0xFFFFFFFF  }
0xa7: {  	s26 =	simm.s32 $execute0_lowered;
	[smem:$0x3FD2] =	sst s25  }
0xa8: {  	s6 =	sshll.u32 s26, $0x1;
	_ =	strace $0x80000046;
	[dreg:$0x1] =	wrdreg $0xFFFFFFFF  }
0xa9: {  	s28 =	simm.s32 $_size_execute0_lowered;
	s5 =	sadd.s32 s5, s6;
	[dreg:$0x0] =	wrdreg $0x0  }
0xaa: {  	s6 =	sshll.u32 s28, $0x1;
	[dreg:$0x2] =	wrdreg s5  }
0xab: {  	[dreg:$0x3] =	wrdreg s6  }
0xac: {  	[dreg:$0x4] =	wrdreg $0xC0  }
0xad: {  	_ =	task [dreg:s9], $0x5FFFF  }
0xae: {  	[dreg:$0x1] =	wrdreg $0xFFFFFFFF  }
0xaf: {  	[dreg:$0x0] =	wrdreg $0x60  }
0xb0: {  	[dreg:$0x2] =	wrdreg s2  }
0xb1: {  	[dreg:$0x3] =	wrdreg s19  }
0xb2: {  	[dreg:$0x4] =	wrdreg s4  }
0xb3: {  	[dreg:$0x5] =	wrdreg $0x9  }
0xb4: {  	_ =	task.clear_ibuf [dreg:s9], $0x6FFFF;
	_ =	strace $0x90000046  }
0xb5: {  	s29 =	simm.s32 $0x9;
	_ =	strace $0x80000048  }
0xb6: {  	_ =	swait.ge [sflag:s29], $0x1  }
0xb7: {  	[sflag:s29] =	ssyncadd.s32 $0xFFFFFFFF  }
0xb8: {  	_ =	strace $0x90000048  }
0xb9: {  	_ =	sfence  }
0xba: {  	s30 =	sld [smem:$0x0];
	_ =	sdelay $0x2  }
0xbb: {  	s31 =	sshll.u32 s1, $0xD;
	s1 =	sshrl.u32 s1, $0x2  }
0xbc: {  	s3 =	sand.u32 $0x4000, s31;
	s1 =	sadd.s32 s1, s30  }
0xbd: {  	s0 =	sor.u32 s3, s0;
	s1 =	sshll.u32 s1, $0x11  }
0xbe: {  	s0 =	sor.u32 s1, s0  }
0xbf: {  	s0 =	sadd.s32 $0x8F2B, s0  }
0xc0: {  	[sflag:s0] =	ssyncadd.remote.s32 $0x1  }
0xc1: {  	_ =	sfence.sel $0xFFFF  }
0xc2: {  	[dreg:$0x0] =	wrdreg $0xFFFFFFFF;
	(pc) =	sbr.abs _section_cstart, $3  }
0xc3: {  	[dreg:$0x1] =	wrdreg $0xFFFFFFFF  }
0xc4: {  	_ =	task.clear_ibuf [dreg:s9], $0x2FFFF;
	_ =	strace $0x9FFFFFFF  }
0xc5: {  	(tm) =	ssettm $0x7FFFFFFF  }
tec
execute0_lowered:
.L_overlay_start_1:
0x0: {  	(tag) =	ssettag $0x1  }
0x1: {  	s0 =	rddreg [dreg:$0x0]  }
0x2: {  	s1 =	rddreg [dreg:$0x1]  }
0x3: {  	s2 =	rddreg [dreg:$0x2]  }
0x4: {  	s3 =	simm.s32 $0x0;
	s4 =	srdreg.scid;
	s13 =	stileid.u32  }
0x5: {  	s15 =	simm.s32 $0xA100;
	s28 =	simm.s32 $0xC100;
	s29 =	simm.s32 $0xC900  }
0x6: {  	s30 =	simm.s32 $0x4;
	s31 =	simm.s32 $0x5;
	[smem:$0x7FF] =	sst s3  }
0x7: {  	s4 =	sand.u32 $0x1, s4;
	s5 =	sshll.u32 s13, $0x1;
	s17 =	sshll.u32 s13, $0x2  }
0x8: {  	s11 =	sadd.s32 $0x600, s1;
	s12 =	sadd.s32 $0x700, s1;
	s21 =	sshll.u32 s13, $0x11  }
0x9: {  	s13 =	simm.s32 $0x9100;
	_ =	strace $0x80000047;
	s8 =	sor.u32 s4, s5  }
0xa: {  	s6 =	ssub.s32 $0x2, s4;
	s5 =	sand.u32 $0x30, s17;
	s23 =	sshll.u32 s4, $0x10  }
0xb: {  	s4 =	simm.s32 $0x8900;
	s17 =	simm.s32 $0xA900;
	s7 =	sshll.u32 s8, $0x7  }
0xc: {  	s9 =	sshrl.u32 s6, $0x1;
	s0 =	sadd.s32 s0, s5;
	s18 =	sshll.u32 s8, $0x10  }
0xd: {  	s5 =	sadd.s32 $0x100, s1;
	s7 =	sand.u32 $0x380, s7;
	s14 =	sadd.s32 s2, s18  }
0xe: {  	s8 =	sadd.s32 $0x400, s1;
	s0 =	sadd.s32 s7, s0;
	[dreg:$0x6] =	wrdreg s14  }
0xf: {  	s10 =	ssub.s32 s6, s9;
	s19 =	sadd.s32 $0x2000, s14;
	[dreg:$0x5] =	wrdreg s0  }
0x10: {  	s6 =	sadd.s32 $0x200, s1;
	s20 =	sadd.s32 $0xC000, s14;
	[dreg:$0x8] =	wrdreg s19  }
0x11: {  	s9 =	sadd.s32 $0x500, s1;
	s22 =	sadd.s32 $0xD000, s14;
	[dreg:$0x9] =	wrdreg s20  }
0x12: {  	s18 =	simm.s32 $0x1;
	s24 =	sadd.s32 $0xE000, s14;
	[dreg:$0xa] =	wrdreg s22  }
0x13: {  	s7 =	sadd.s32 $0x300, s1;
	s25 =	sadd.s32 $0xF000, s14;
	[dreg:$0xb] =	wrdreg s24  }
0x14: {  	s26 =	smax.u32 s10, $0x1;
	s0 =	sadd.s32 $0x1000, s14;
	[dreg:$0xc] =	wrdreg s25  }
0x15: {  	[dreg:$0xd] =	wrdreg s26;
	s14 =	simm.s32 $0x9900;
	s25 =	simm.s32 $0xB100  }
0x16: {  	v2 =	vlaneseq.u32;
	s26 =	simm.s32 $0xB900;
	[dreg:$0x7] =	wrdreg s0;
	s0 =	sadd.s32 s21, s2  }
0x17: {  	vm0 =	vmmov $0xffff;
	v1 =	vshrl.u32 v2, $0x3;
	s19 =	simm.s32 $0x2;
	s2 =	simm.s32 $0x6;
	s0 =	sadd.s32 s23, s0  }
0x18: {  	v0 =	vand.u32 $0x7, v2;
	v2 =	vor.u32 $0x8, v2;
	v1 =	vmul.u32 $0x8, v1;
	s21 =	simm.s32 $0x0;
	[dreg:$0x4] =	wrdreg s0;
	s0 =	simm.s32 $0x3  }
.LBB2_1:
0x19: {  	[dreg:$0xe] =	wrdreg s21  }
0x1a: {  	s20 =	rddreg [dreg:$0x5]  }
0x1b: {  	s10 =	simm.s32 $0x80;
	s22 =	simm.s32 $0x200;
	s16 =	simm.s32 $0x7  }
0x1c: {  	[tilespmem:s3], [sflag:$0x7] =	stream.strided.gather [hbm4b:s20+s10], $0x100, s22, s10, $0x38;
	[tilespmem:$0x18100] =	vst v63  }
0x1d: {  	_ =	swait.ge [sflag:s16], $0x100  }
0x1e: {  	[sflag:s16] =	ssyncset.done $0x0  }
0x1f: {  	[sflag:s16] =	ssyncadd.s32 $0xFFFFFF00  }
0x20: {  	v3 =	vld [tilespmem:$0x0];
	_ =	sdelay $0x4  }
0x21: {  	v4 =	vshll.u32 v3, $0x4  }
0x22: {  	v3 =	vand.u32 $0x7, v3;
	v4 =	vand.u32 $0xFFFFFF80, v4  }
0x23: {  	v3 =	vor.u32 v3, v4  }
0x24: {  	v4 =	vperm.xlane v3, v0;
	_ =	sdelay $0x1  }
0x25: {  	v4 =	vadd.s32 v1, v4;
	_ =	sdelay $0x3  }
0x26: {  	s23 =	simm.s32 $0x100  }
0x27: {  	[tilespmem:s23], [sflag:$0x1] =	stream.indirect_vreg.gather [hbm4b:s1+s3], $0x80, v4, vm0, $0xb8;
	[tilespmem:$0x18100] =	vst v63  }
0x28: {  	s21 =	simm.s32 $0x900  }
0x29: {  	[tilespmem:s21], [sflag:$0x1] =	stream.indirect_vreg.gather [hbm4b:s5+s3], $0x80, v4, vm0, $0xb8;
	[tilespmem:$0x18100] =	vst v63  }
0x2a: {  	s22 =	simm.s32 $0x1100  }
0x2b: {  	[tilespmem:s22], [sflag:$0x1] =	stream.indirect_vreg.gather [hbm4b:s6+s3], $0x80, v4, vm0, $0xb8;
	[tilespmem:$0x18100] =	vst v63  }
0x2c: {  	s24 =	simm.s32 $0x1900  }
0x2d: {  	[tilespmem:s24], [sflag:$0x1] =	stream.indirect_vreg.gather [hbm4b:s7+s3], $0x80, v4, vm0, $0xb8;
	[tilespmem:$0x18100] =	vst v63  }
0x2e: {  	s10 =	simm.s32 $0x2100  }
0x2f: {  	[tilespmem:s10], [sflag:$0x1] =	stream.indirect_vreg.gather [hbm4b:s8+s3], $0x80, v4, vm0, $0xb8;
	[tilespmem:$0x18100] =	vst v63  }
0x30: {  	s20 =	simm.s32 $0x2900;
	v3 =	vperm.xlane v3, v2  }
0x31: {  	[tilespmem:s20], [sflag:$0x1] =	stream.indirect_vreg.gather [hbm4b:s9+s3], $0x80, v4, vm0, $0xb8;
	[tilespmem:$0x18100] =	vst v63  }
0x32: {  	s16 =	simm.s32 $0x3100;
	v3 =	vadd.s32 v1, v3  }
0x33: {  	[tilespmem:s16], [sflag:$0x1] =	stream.indirect_vreg.gather [hbm4b:s11+s3], $0x80, v4, vm0, $0xb8;
	[tilespmem:$0x18100] =	vst v63  }
0x34: {  	s20 =	simm.s32 $0x3900  }
0x35: {  	[tilespmem:s20], [sflag:$0x1] =	stream.indirect_vreg.gather [hbm4b:s12+s3], $0x80, v4, vm0, $0xb8;
	[tilespmem:$0x18100] =	vst v63  }
0x36: {  	s16 =	simm.s32 $0x4100  }
0x37: {  	[tilespmem:s16], [sflag:$0x1] =	stream.indirect_vreg.gather [hbm4b:s1+s3], $0x80, v3, vm0, $0xb8;
	[tilespmem:$0x18100] =	vst v63  }
0x38: {  	s20 =	simm.s32 $0x4900  }
0x39: {  	[tilespmem:s20], [sflag:$0x1] =	stream.indirect_vreg.gather [hbm4b:s5+s3], $0x80, v3, vm0, $0xb8;
	[tilespmem:$0x18100] =	vst v63  }
0x3a: {  	s16 =	simm.s32 $0x5100  }
0x3b: {  	[tilespmem:s16], [sflag:$0x1] =	stream.indirect_vreg.gather [hbm4b:s6+s3], $0x80, v3, vm0, $0xb8;
	[tilespmem:$0x18100] =	vst v63  }
0x3c: {  	s20 =	simm.s32 $0x5900  }
0x3d: {  	[tilespmem:s20], [sflag:$0x1] =	stream.indirect_vreg.gather [hbm4b:s7+s3], $0x80, v3, vm0, $0xb8;
	[tilespmem:$0x18100] =	vst v63  }
0x3e: {  	s16 =	simm.s32 $0x6100  }
0x3f: {  	[tilespmem:s16], [sflag:$0x1] =	stream.indirect_vreg.gather [hbm4b:s8+s3], $0x80, v3, vm0, $0xb8;
	[tilespmem:$0x18100] =	vst v63  }
0x40: {  	s20 =	simm.s32 $0x6900  }
0x41: {  	[tilespmem:s20], [sflag:$0x1] =	stream.indirect_vreg.gather [hbm4b:s9+s3], $0x80, v3, vm0, $0xb8;
	[tilespmem:$0x18100] =	vst v63  }
0x42: {  	s16 =	simm.s32 $0x7100  }
0x43: {  	[tilespmem:s16], [sflag:$0x1] =	stream.indirect_vreg.gather [hbm4b:s11+s3], $0x80, v3, vm0, $0xb8;
	[tilespmem:$0x18100] =	vst v63  }
0x44: {  	s20 =	simm.s32 $0x7900  }
0x45: {  	[tilespmem:s20], [sflag:$0x1] =	stream.indirect_vreg.gather [hbm4b:s12+s3], $0x80, v3, vm0, $0xb8;
	[tilespmem:$0x18100] =	vst v63  }
0x46: {  	v3 =	vld [tilespmem:$0x10];
	_ =	sdelay $0x4  }
0x47: {  	v60 =	vshll.u32 v3, $0x4  }
0x48: {  	v3 =	vand.u32 $0x7, v3;
	v4 =	vand.u32 $0xFFFFFF80, v60  }
0x49: {  	v3 =	vor.u32 v3, v4  }
0x4a: {  	v4 =	vperm.xlane v3, v0;
	_ =	sdelay $0x1  }
0x4b: {  	v4 =	vadd.s32 v1, v4;
	_ =	sdelay $0x3  }
0x4c: {  	s16 =	simm.s32 $0x8100  }
0x4d: {  	[tilespmem:s16], [sflag:$0x2] =	stream.indirect_vreg.gather [hbm4b:s1+s3], $0x80, v4, vm0, $0xb8;
	[tilespmem:$0x18100] =	vst v63  }
0x4e: {  	_ = 	snop  }
0x4f: {  	[tilespmem:s4], [sflag:$0x2] =	stream.indirect_vreg.gather [hbm4b:s5+s3], $0x80, v4, vm0, $0xb8;
	[tilespmem:$0x18100] =	vst v63  }
0x50: {  	_ = 	snop  }
0x51: {  	[tilespmem:s13], [sflag:$0x2] =	stream.indirect_vreg.gather [hbm4b:s6+s3], $0x80, v4, vm0, $0xb8;
	[tilespmem:$0x18100] =	vst v63  }
0x52: {  	_ = 	snop  }
0x53: {  	[tilespmem:s14], [sflag:$0x2] =	stream.indirect_vreg.gather [hbm4b:s7+s3], $0x80, v4, vm0, $0xb8;
	[tilespmem:$0x18100] =	vst v63  }
0x54: {  	_ = 	snop  }
0x55: {  	[tilespmem:s15], [sflag:$0x2] =	stream.indirect_vreg.gather [hbm4b:s8+s3], $0x80, v4, vm0, $0xb8;
	[tilespmem:$0x18100] =	vst v63  }
0x56: {  	v3 =	vperm.xlane v3, v2  }
0x57: {  	[tilespmem:s17], [sflag:$0x2] =	stream.indirect_vreg.gather [hbm4b:s9+s3], $0x80, v4, vm0, $0xb8;
	[tilespmem:$0x18100] =	vst v63  }
0x58: {  	v3 =	vadd.s32 v1, v3  }
0x59: {  	[tilespmem:s25], [sflag:$0x2] =	stream.indirect_vreg.gather [hbm4b:s11+s3], $0x80, v4, vm0, $0xb8;
	[tilespmem:$0x18100] =	vst v63  }
0x5a: {  	_ = 	snop  }
0x5b: {  	[tilespmem:s26], [sflag:$0x2] =	stream.indirect_vreg.gather [hbm4b:s12+s3], $0x80, v4, vm0, $0xb8;
	[tilespmem:$0x18100] =	vst v63  }
0x5c: {  	_ = 	snop  }
0x5d: {  	[tilespmem:s28], [sflag:$0x2] =	stream.indirect_vreg.gather [hbm4b:s1+s3], $0x80, v3, vm0, $0xb8;
	[tilespmem:$0x18100] =	vst v63  }
0x5e: {  	_ = 	snop  }
0x5f: {  	[tilespmem:s29], [sflag:$0x2] =	stream.indirect_vreg.gather [hbm4b:s5+s3], $0x80, v3, vm0, $0xb8;
	[tilespmem:$0x18100] =	vst v63  }
0x60: {  	s26 =	simm.s32 $0xD100  }
0x61: {  	[tilespmem:s26], [sflag:$0x2] =	stream.indirect_vreg.gather [hbm4b:s6+s3], $0x80, v3, vm0, $0xb8;
	[tilespmem:$0x18100] =	vst v63  }
0x62: {  	s25 =	simm.s32 $0xD900  }
0x63: {  	[tilespmem:s25], [sflag:$0x2] =	stream.indirect_vreg.gather [hbm4b:s7+s3], $0x80, v3, vm0, $0xb8;
	[tilespmem:$0x18100] =	vst v63  }
0x64: {  	s28 =	simm.s32 $0xE100  }
0x65: {  	[tilespmem:s28], [sflag:$0x2] =	stream.indirect_vreg.gather [hbm4b:s8+s3], $0x80, v3, vm0, $0xb8;
	[tilespmem:$0x18100] =	vst v63  }
0x66: {  	s13 =	simm.s32 $0xE900  }
0x67: {  	[tilespmem:s13], [sflag:$0x2] =	stream.indirect_vreg.gather [hbm4b:s9+s3], $0x80, v3, vm0, $0xb8;
	[tilespmem:$0x18100] =	vst v63  }
0x68: {  	s14 =	simm.s32 $0xF100  }
0x69: {  	[tilespmem:s14], [sflag:$0x2] =	stream.indirect_vreg.gather [hbm4b:s11+s3], $0x80, v3, vm0, $0xb8;
	[tilespmem:$0x18100] =	vst v63  }
0x6a: {  	s15 =	simm.s32 $0xF900  }
0x6b: {  	[tilespmem:s15], [sflag:$0x2] =	stream.indirect_vreg.gather [hbm4b:s12+s3], $0x80, v3, vm0, $0xb8;
	[tilespmem:$0x18100] =	vst v63  }
0x6c: {  	v3 =	vld [tilespmem:$0x20];
	_ =	sdelay $0x4  }
0x6d: {  	v61 =	vshll.u32 v3, $0x4  }
0x6e: {  	v3 =	vand.u32 $0x7, v3;
	v4 =	vand.u32 $0xFFFFFF80, v61  }
0x6f: {  	v3 =	vor.u32 v3, v4  }
0x70: {  	v4 =	vperm.xlane v3, v0;
	_ =	sdelay $0x1  }
0x71: {  	v4 =	vadd.s32 v1, v4;
	_ =	sdelay $0x3  }
0x72: {  	s10 =	simm.s32 $0x10100  }
0x73: {  	[tilespmem:s10], [sflag:$0x3] =	stream.indirect_vreg.gather [hbm4b:s1+s3], $0x80, v4, vm0, $0xb8;
	[tilespmem:$0x18100] =	vst v63  }
0x74: {  	s17 =	simm.s32 $0x10900  }
0x75: {  	[tilespmem:s17], [sflag:$0x3] =	stream.indirect_vreg.gather [hbm4b:s5+s3], $0x80, v4, vm0, $0xb8;
	[tilespmem:$0x18100] =	vst v63  }
0x76: {  	s20 =	simm.s32 $0x11100  }
0x77: {  	[tilespmem:s20], [sflag:$0x3] =	stream.indirect_vreg.gather [hbm4b:s6+s3], $0x80, v4, vm0, $0xb8;
	[tilespmem:$0x18100] =	vst v63  }
0x78: {  	s13 =	simm.s32 $0x11900  }
0x79: {  	[tilespmem:s13], [sflag:$0x3] =	stream.indirect_vreg.gather [hbm4b:s7+s3], $0x80, v4, vm0, $0xb8;
	[tilespmem:$0x18100] =	vst v63  }
0x7a: {  	s14 =	simm.s32 $0x12100  }
0x7b: {  	[tilespmem:s14], [sflag:$0x3] =	stream.indirect_vreg.gather [hbm4b:s8+s3], $0x80, v4, vm0, $0xb8;
	[tilespmem:$0x18100] =	vst v63  }
0x7c: {  	s15 =	simm.s32 $0x12900;
	v3 =	vperm.xlane v3, v2  }
0x7d: {  	[tilespmem:s15], [sflag:$0x3] =	stream.indirect_vreg.gather [hbm4b:s9+s3], $0x80, v4, vm0, $0xb8;
	[tilespmem:$0x18100] =	vst v63  }
0x7e: {  	v3 =	vadd.s32 v1, v3;
	s17 =	simm.s32 $0x13100  }
0x7f: {  	[tilespmem:s17], [sflag:$0x3] =	stream.indirect_vreg.gather [hbm4b:s11+s3], $0x80, v4, vm0, $0xb8;
	[tilespmem:$0x18100] =	vst v63  }
0x80: {  	s20 =	simm.s32 $0x13900  }
0x81: {  	[tilespmem:s20], [sflag:$0x3] =	stream.indirect_vreg.gather [hbm4b:s12+s3], $0x80, v4, vm0, $0xb8;
	[tilespmem:$0x18100] =	vst v63  }
0x82: {  	s13 =	simm.s32 $0x14100  }
0x83: {  	[tilespmem:s13], [sflag:$0x3] =	stream.indirect_vreg.gather [hbm4b:s1+s3], $0x80, v3, vm0, $0xb8;
	[tilespmem:$0x18100] =	vst v63  }
0x84: {  	s14 =	simm.s32 $0x14900  }
0x85: {  	[tilespmem:s14], [sflag:$0x3] =	stream.indirect_vreg.gather [hbm4b:s5+s3], $0x80, v3, vm0, $0xb8;
	[tilespmem:$0x18100] =	vst v63  }
0x86: {  	s15 =	simm.s32 $0x15100  }
0x87: {  	[tilespmem:s15], [sflag:$0x3] =	stream.indirect_vreg.gather [hbm4b:s6+s3], $0x80, v3, vm0, $0xb8;
	[tilespmem:$0x18100] =	vst v63  }
0x88: {  	s17 =	simm.s32 $0x15900  }
0x89: {  	[tilespmem:s17], [sflag:$0x3] =	stream.indirect_vreg.gather [hbm4b:s7+s3], $0x80, v3, vm0, $0xb8;
	[tilespmem:$0x18100] =	vst v63  }
0x8a: {  	s20 =	simm.s32 $0x16100  }
0x8b: {  	[tilespmem:s20], [sflag:$0x3] =	stream.indirect_vreg.gather [hbm4b:s8+s3], $0x80, v3, vm0, $0xb8;
	[tilespmem:$0x18100] =	vst v63  }
0x8c: {  	s13 =	simm.s32 $0x16900  }
0x8d: {  	[tilespmem:s13], [sflag:$0x3] =	stream.indirect_vreg.gather [hbm4b:s9+s3], $0x80, v3, vm0, $0xb8;
	[tilespmem:$0x18100] =	vst v63  }
0x8e: {  	s14 =	simm.s32 $0x17100  }
0x8f: {  	[tilespmem:s14], [sflag:$0x3] =	stream.indirect_vreg.gather [hbm4b:s11+s3], $0x80, v3, vm0, $0xb8;
	[tilespmem:$0x18100] =	vst v63  }
0x90: {  	s15 =	simm.s32 $0x17900  }
0x91: {  	[tilespmem:s15], [sflag:$0x3] =	stream.indirect_vreg.gather [hbm4b:s12+s3], $0x80, v3, vm0, $0xb8;
	[tilespmem:$0x18100] =	vst v63  }
0x92: {  	_ =	swait.ge [sflag:s18], $0x8000  }
0x93: {  	[sflag:s18] =	ssyncset.done $0x0  }
0x94: {  	s17 =	rddreg [dreg:$0x6];
	[sflag:s18] =	ssyncadd.s32 $0xFFFF8000  }
0x95: {  	[hbm4b:s17+s3] =	stream.linear.scatter [tilespmem:s23], [sflag:$0x4], $0x8000, $0x38;
	[tilespmem:$0x18100] =	vst v63  }
0x96: {  	_ =	swait.ge [sflag:s30], $0x8000  }
0x97: {  	[sflag:s30] =	ssyncset.done $0x0  }
0x98: {  	[sflag:s30] =	ssyncadd.s32 $0xFFFF8000  }
0x99: {  	v3 =	vld [tilespmem:$0x30];
	_ =	sdelay $0x4  }
0x9a: {  	v62 =	vshll.u32 v3, $0x4  }
0x9b: {  	v3 =	vand.u32 $0x7, v3;
	v4 =	vand.u32 $0xFFFFFF80, v62  }
0x9c: {  	v3 =	vor.u32 v3, v4  }
0x9d: {  	v4 =	vperm.xlane v3, v0;
	_ =	sdelay $0x1  }
0x9e: {  	v4 =	vadd.s32 v1, v4;
	_ =	sdelay $0x4  }
0x9f: {  	[tilespmem:s23], [sflag:$0x1] =	stream.indirect_vreg.gather [hbm4b:s1+s3], $0x80, v4, vm0, $0xb8;
	[tilespmem:$0x18100] =	vst v63  }
0xa0: {  	_ = 	snop  }
0xa1: {  	[tilespmem:s21], [sflag:$0x1] =	stream.indirect_vreg.gather [hbm4b:s5+s3], $0x80, v4, vm0, $0xb8;
	[tilespmem:$0x18100] =	vst v63  }
0xa2: {  	_ = 	snop  }
0xa3: {  	[tilespmem:s22], [sflag:$0x1] =	stream.indirect_vreg.gather [hbm4b:s6+s3], $0x80, v4, vm0, $0xb8;
	[tilespmem:$0x18100] =	vst v63  }
0xa4: {  	_ = 	snop  }
0xa5: {  	[tilespmem:s24], [sflag:$0x1] =	stream.indirect_vreg.gather [hbm4b:s7+s3], $0x80, v4, vm0, $0xb8;
	[tilespmem:$0x18100] =	vst v63  }
0xa6: {  	s24 =	simm.s32 $0x2100  }
0xa7: {  	[tilespmem:s24], [sflag:$0x1] =	stream.indirect_vreg.gather [hbm4b:s8+s3], $0x80, v4, vm0, $0xb8;
	[tilespmem:$0x18100] =	vst v63  }
0xa8: {  	s20 =	simm.s32 $0x2900;
	v3 =	vperm.xlane v3, v2  }
0xa9: {  	[tilespmem:s20], [sflag:$0x1] =	stream.indirect_vreg.gather [hbm4b:s9+s3], $0x80, v4, vm0, $0xb8;
	[tilespmem:$0x18100] =	vst v63  }
0xaa: {  	v3 =	vadd.s32 v1, v3;
	s22 =	simm.s32 $0x3100  }
0xab: {  	[tilespmem:s22], [sflag:$0x1] =	stream.indirect_vreg.gather [hbm4b:s11+s3], $0x80, v4, vm0, $0xb8;
	[tilespmem:$0x18100] =	vst v63  }
0xac: {  	s23 =	simm.s32 $0x3900  }
0xad: {  	[tilespmem:s23], [sflag:$0x1] =	stream.indirect_vreg.gather [hbm4b:s12+s3], $0x80, v4, vm0, $0xb8;
	[tilespmem:$0x18100] =	vst v63  }
0xae: {  	s24 =	simm.s32 $0x4100  }
0xaf: {  	[tilespmem:s24], [sflag:$0x1] =	stream.indirect_vreg.gather [hbm4b:s1+s3], $0x80, v3, vm0, $0xb8;
	[tilespmem:$0x18100] =	vst v63  }
0xb0: {  	s20 =	simm.s32 $0x4900  }
0xb1: {  	[tilespmem:s20], [sflag:$0x1] =	stream.indirect_vreg.gather [hbm4b:s5+s3], $0x80, v3, vm0, $0xb8;
	[tilespmem:$0x18100] =	vst v63  }
0xb2: {  	s20 =	simm.s32 $0x5100  }
0xb3: {  	[tilespmem:s20], [sflag:$0x1] =	stream.indirect_vreg.gather [hbm4b:s6+s3], $0x80, v3, vm0, $0xb8;
	[tilespmem:$0x18100] =	vst v63  }
0xb4: {  	s20 =	simm.s32 $0x5900  }
0xb5: {  	[tilespmem:s20], [sflag:$0x1] =	stream.indirect_vreg.gather [hbm4b:s7+s3], $0x80, v3, vm0, $0xb8;
	[tilespmem:$0x18100] =	vst v63  }
0xb6: {  	s20 =	simm.s32 $0x6100  }
0xb7: {  	[tilespmem:s20], [sflag:$0x1] =	stream.indirect_vreg.gather [hbm4b:s8+s3], $0x80, v3, vm0, $0xb8;
	[tilespmem:$0x18100] =	vst v63  }
0xb8: {  	s20 =	simm.s32 $0x6900  }
0xb9: {  	[tilespmem:s20], [sflag:$0x1] =	stream.indirect_vreg.gather [hbm4b:s9+s3], $0x80, v3, vm0, $0xb8;
	[tilespmem:$0x18100] =	vst v63  }
0xba: {  	s20 =	simm.s32 $0x7100  }
0xbb: {  	[tilespmem:s20], [sflag:$0x1] =	stream.indirect_vreg.gather [hbm4b:s11+s3], $0x80, v3, vm0, $0xb8;
	[tilespmem:$0x18100] =	vst v63  }
0xbc: {  	s20 =	simm.s32 $0x7900  }
0xbd: {  	[tilespmem:s20], [sflag:$0x1] =	stream.indirect_vreg.gather [hbm4b:s12+s3], $0x80, v3, vm0, $0xb8;
	[tilespmem:$0x18100] =	vst v63  }
0xbe: {  	_ =	swait.ge [sflag:s19], $0x8000  }
0xbf: {  	[sflag:s19] =	ssyncset.done $0x0  }
0xc0: {  	s20 =	rddreg [dreg:$0x7];
	[sflag:s19] =	ssyncadd.s32 $0xFFFF8000  }
0xc1: {  	[hbm4b:s20+s3] =	stream.linear.scatter [tilespmem:s16], [sflag:$0x5], $0x8000, $0x38;
	[tilespmem:$0x18100] =	vst v63  }
0xc2: {  	_ =	swait.ge [sflag:s31], $0x8000  }
0xc3: {  	[sflag:s31] =	ssyncset.done $0x0  }
0xc4: {  	[sflag:s31] =	ssyncadd.s32 $0xFFFF8000  }
0xc5: {  	v3 =	vld [tilespmem:$0x40];
	_ =	sdelay $0x4  }
0xc6: {  	v63 =	vshll.u32 v3, $0x4  }
0xc7: {  	v3 =	vand.u32 $0x7, v3;
	v4 =	vand.u32 $0xFFFFFF80, v63  }
0xc8: {  	v3 =	vor.u32 v3, v4  }
0xc9: {  	v4 =	vperm.xlane v3, v0;
	_ =	sdelay $0x1  }
0xca: {  	v4 =	vadd.s32 v1, v4;
	_ =	sdelay $0x4  }
0xcb: {  	[tilespmem:s16], [sflag:$0x2] =	stream.indirect_vreg.gather [hbm4b:s1+s3], $0x80, v4, vm0, $0xb8;
	[tilespmem:$0x18100] =	vst v63  }
0xcc: {  	s13 =	simm.s32 $0x8900  }
0xcd: {  	[tilespmem:s13], [sflag:$0x2] =	stream.indirect_vreg.gather [hbm4b:s5+s3], $0x80, v4, vm0, $0xb8;
	[tilespmem:$0x18100] =	vst v63  }
0xce: {  	s17 =	simm.s32 $0x9100  }
0xcf: {  	[tilespmem:s17], [sflag:$0x2] =	stream.indirect_vreg.gather [hbm4b:s6+s3], $0x80, v4, vm0, $0xb8;
	[tilespmem:$0x18100] =	vst v63  }
0xd0: {  	s15 =	simm.s32 $0x9900  }
0xd1: {  	[tilespmem:s15], [sflag:$0x2] =	stream.indirect_vreg.gather [hbm4b:s7+s3], $0x80, v4, vm0, $0xb8;
	[tilespmem:$0x18100] =	vst v63  }
0xd2: {  	s23 =	simm.s32 $0xA100  }
0xd3: {  	[tilespmem:s23], [sflag:$0x2] =	stream.indirect_vreg.gather [hbm4b:s8+s3], $0x80, v4, vm0, $0xb8;
	[tilespmem:$0x18100] =	vst v63  }
0xd4: {  	s22 =	simm.s32 $0xA900;
	v3 =	vperm.xlane v3, v2  }
0xd5: {  	[tilespmem:s22], [sflag:$0x2] =	stream.indirect_vreg.gather [hbm4b:s9+s3], $0x80, v4, vm0, $0xb8;
	[tilespmem:$0x18100] =	vst v63  }
0xd6: {  	s4 =	simm.s32 $0xB100;
	v3 =	vadd.s32 v1, v3  }
0xd7: {  	[tilespmem:s4], [sflag:$0x2] =	stream.indirect_vreg.gather [hbm4b:s11+s3], $0x80, v4, vm0, $0xb8;
	[tilespmem:$0x18100] =	vst v63  }
0xd8: {  	s14 =	simm.s32 $0xB900  }
0xd9: {  	[tilespmem:s14], [sflag:$0x2] =	stream.indirect_vreg.gather [hbm4b:s12+s3], $0x80, v4, vm0, $0xb8;
	[tilespmem:$0x18100] =	vst v63  }
0xda: {  	s21 =	simm.s32 $0xC100  }
0xdb: {  	[tilespmem:s21], [sflag:$0x2] =	stream.indirect_vreg.gather [hbm4b:s1+s3], $0x80, v3, vm0, $0xb8;
	[tilespmem:$0x18100] =	vst v63  }
0xdc: {  	s24 =	simm.s32 $0xC900  }
0xdd: {  	[tilespmem:s24], [sflag:$0x2] =	stream.indirect_vreg.gather [hbm4b:s5+s3], $0x80, v3, vm0, $0xb8;
	[tilespmem:$0x18100] =	vst v63  }
0xde: {  	_ = 	snop  }
0xdf: {  	[tilespmem:s26], [sflag:$0x2] =	stream.indirect_vreg.gather [hbm4b:s6+s3], $0x80, v3, vm0, $0xb8;
	[tilespmem:$0x18100] =	vst v63  }
0xe0: {  	_ = 	snop  }
0xe1: {  	[tilespmem:s25], [sflag:$0x2] =	stream.indirect_vreg.gather [hbm4b:s7+s3], $0x80, v3, vm0, $0xb8;
	[tilespmem:$0x18100] =	vst v63  }
0xe2: {  	_ = 	snop  }
0xe3: {  	[tilespmem:s28], [sflag:$0x2] =	stream.indirect_vreg.gather [hbm4b:s8+s3], $0x80, v3, vm0, $0xb8;
	[tilespmem:$0x18100] =	vst v63  }
0xe4: {  	s29 =	simm.s32 $0xB900;
	s20 =	simm.s32 $0x0;
	s21 =	simm.s32 $0xE900  }
0xe5: {  	[tilespmem:s21], [sflag:$0x2] =	stream.indirect_vreg.gather [hbm4b:s9+s3], $0x80, v3, vm0, $0xb8;
	[tilespmem:$0x18100] =	vst v63  }
0xe6: {  	s13 =	simm.s32 $0xE900;
	s17 =	simm.s32 $0xC900;
	s22 =	simm.s32 $0xF100  }
0xe7: {  	[tilespmem:s22], [sflag:$0x2] =	stream.indirect_vreg.gather [hbm4b:s11+s3], $0x80, v3, vm0, $0xb8;
	[tilespmem:$0x18100] =	vst v63  }
0xe8: {  	s15 =	simm.s32 $0xC100;
	s23 =	simm.s32 $0xD100;
	s24 =	simm.s32 $0xF900  }
0xe9: {  	[tilespmem:s24], [sflag:$0x2] =	stream.indirect_vreg.gather [hbm4b:s12+s3], $0x80, v3, vm0, $0xb8;
	[tilespmem:$0x18100] =	vst v63  }
0xea: {  	s4 =	simm.s32 $0xD900;
	s14 =	simm.s32 $0xF900;
	_ =	swait.ge [sflag:s0], $0x8000  }
0xeb: {  	s26 =	simm.s32 $0xE100;
	s28 =	simm.s32 $0xF100;
	[sflag:s0] =	ssyncset.done $0x0  }
0xec: {  	s22 =	simm.s32 $0x70;
	s25 =	rddreg [dreg:$0x8];
	[sflag:s0] =	ssyncadd.s32 $0xFFFF8000  }
0xed: {  	[hbm4b:s25+s3] =	stream.linear.scatter [tilespmem:s10], [sflag:$0x6], $0x8000, $0x38;
	[tilespmem:$0x18100] =	vst v63  }
.LBB2_2:
0xee: {  	_ =	swait.ge [sflag:s2], $0x8000  }
0xef: {  	[sflag:s2] =	ssyncset.done $0x0  }
0xf0: {  	[sflag:s2] =	ssyncadd.s32 $0xFFFF8000  }
0xf1: {  	v3 =	vld [tilespmem:s22+$0xFFFFFFE0];
	_ =	sdelay $0x4  }
0xf2: {  	v4 =	vshll.u32 v3, $0x4  }
0xf3: {  	v3 =	vand.u32 $0x7, v3;
	v4 =	vand.u32 $0xFFFFFF80, v4  }
0xf4: {  	v3 =	vor.u32 v3, v4  }
0xf5: {  	v4 =	vperm.xlane v3, v0;
	_ =	sdelay $0x1  }
0xf6: {  	v4 =	vadd.s32 v1, v4;
	_ =	sdelay $0x3  }
0xf7: {  	s25 =	simm.s32 $0x10100  }
0xf8: {  	[tilespmem:s25], [sflag:$0x3] =	stream.indirect_vreg.gather [hbm4b:s1+s3], $0x80, v4, vm0, $0xb8;
	[tilespmem:$0x18100] =	vst v63  }
0xf9: {  	s21 =	simm.s32 $0x10900  }
0xfa: {  	[tilespmem:s21], [sflag:$0x3] =	stream.indirect_vreg.gather [hbm4b:s5+s3], $0x80, v4, vm0, $0xb8;
	[tilespmem:$0x18100] =	vst v63  }
0xfb: {  	s16 =	simm.s32 $0x11100  }
0xfc: {  	[tilespmem:s16], [sflag:$0x3] =	stream.indirect_vreg.gather [hbm4b:s6+s3], $0x80, v4, vm0, $0xb8;
	[tilespmem:$0x18100] =	vst v63  }
0xfd: {  	s24 =	simm.s32 $0x11900  }
0xfe: {  	[tilespmem:s24], [sflag:$0x3] =	stream.indirect_vreg.gather [hbm4b:s7+s3], $0x80, v4, vm0, $0xb8;
	[tilespmem:$0x18100] =	vst v63  }
0xff: {  	s10 =	simm.s32 $0x12100  }
0x100: {  	[tilespmem:s10], [sflag:$0x3] =	stream.indirect_vreg.gather [hbm4b:s8+s3], $0x80, v4, vm0, $0xb8;
	[tilespmem:$0x18100] =	vst v63  }
0x101: {  	v3 =	vperm.xlane v3, v2;
	s16 =	simm.s32 $0x12900  }
0x102: {  	[tilespmem:s16], [sflag:$0x3] =	stream.indirect_vreg.gather [hbm4b:s9+s3], $0x80, v4, vm0, $0xb8;
	[tilespmem:$0x18100] =	vst v63  }
0x103: {  	v3 =	vadd.s32 v1, v3;
	s24 =	simm.s32 $0x13100  }
0x104: {  	[tilespmem:s24], [sflag:$0x3] =	stream.indirect_vreg.gather [hbm4b:s11+s3], $0x80, v4, vm0, $0xb8;
	[tilespmem:$0x18100] =	vst v63  }
0x105: {  	s10 =	simm.s32 $0x13900  }
0x106: {  	[tilespmem:s10], [sflag:$0x3] =	stream.indirect_vreg.gather [hbm4b:s12+s3], $0x80, v4, vm0, $0xb8;
	[tilespmem:$0x18100] =	vst v63  }
0x107: {  	s16 =	simm.s32 $0x14100  }
0x108: {  	[tilespmem:s16], [sflag:$0x3] =	stream.indirect_vreg.gather [hbm4b:s1+s3], $0x80, v3, vm0, $0xb8;
	[tilespmem:$0x18100] =	vst v63  }
0x109: {  	s24 =	simm.s32 $0x14900  }
0x10a: {  	[tilespmem:s24], [sflag:$0x3] =	stream.indirect_vreg.gather [hbm4b:s5+s3], $0x80, v3, vm0, $0xb8;
	[tilespmem:$0x18100] =	vst v63  }
0x10b: {  	s10 =	simm.s32 $0x15100  }
0x10c: {  	[tilespmem:s10], [sflag:$0x3] =	stream.indirect_vreg.gather [hbm4b:s6+s3], $0x80, v3, vm0, $0xb8;
	[tilespmem:$0x18100] =	vst v63  }
0x10d: {  	s16 =	simm.s32 $0x15900  }
0x10e: {  	[tilespmem:s16], [sflag:$0x3] =	stream.indirect_vreg.gather [hbm4b:s7+s3], $0x80, v3, vm0, $0xb8;
	[tilespmem:$0x18100] =	vst v63  }
0x10f: {  	s24 =	simm.s32 $0x16100  }
0x110: {  	[tilespmem:s24], [sflag:$0x3] =	stream.indirect_vreg.gather [hbm4b:s8+s3], $0x80, v3, vm0, $0xb8;
	[tilespmem:$0x18100] =	vst v63  }
0x111: {  	s10 =	simm.s32 $0x16900  }
0x112: {  	[tilespmem:s10], [sflag:$0x3] =	stream.indirect_vreg.gather [hbm4b:s9+s3], $0x80, v3, vm0, $0xb8;
	[tilespmem:$0x18100] =	vst v63  }
0x113: {  	s16 =	simm.s32 $0x17100  }
0x114: {  	[tilespmem:s16], [sflag:$0x3] =	stream.indirect_vreg.gather [hbm4b:s11+s3], $0x80, v3, vm0, $0xb8;
	[tilespmem:$0x18100] =	vst v63  }
0x115: {  	s24 =	simm.s32 $0x17900  }
0x116: {  	[tilespmem:s24], [sflag:$0x3] =	stream.indirect_vreg.gather [hbm4b:s12+s3], $0x80, v3, vm0, $0xb8;
	[tilespmem:$0x18100] =	vst v63  }
0x117: {  	_ =	swait.ge [sflag:s18], $0x8000  }
0x118: {  	s24 =	rddreg [dreg:$0x4]  }
0x119: {  	[sflag:s18] =	ssyncset.done $0x0;
	s24 =	sadd.s32 s20, s24  }
0x11a: {  	s16 =	simm.s32 $0x100;
	[sflag:s18] =	ssyncadd.s32 $0xFFFF8000;
	s10 =	sadd.s32 $0x3000, s24  }
0x11b: {  	[hbm4b:s10+s3] =	stream.linear.scatter [tilespmem:s16], [sflag:$0x4], $0x8000, $0x38;
	[tilespmem:$0x18100] =	vst v63  }
0x11c: {  	_ =	swait.ge [sflag:s30], $0x8000  }
0x11d: {  	[sflag:s30] =	ssyncset.done $0x0  }
0x11e: {  	[sflag:s30] =	ssyncadd.s32 $0xFFFF8000  }
0x11f: {  	v3 =	vld [tilespmem:s22+$0xFFFFFFF0];
	_ =	sdelay $0x4  }
0x120: {  	v62 =	vshll.u32 v3, $0x4  }
0x121: {  	v3 =	vand.u32 $0x7, v3;
	v4 =	vand.u32 $0xFFFFFF80, v62  }
0x122: {  	v3 =	vor.u32 v3, v4  }
0x123: {  	v4 =	vperm.xlane v3, v0;
	_ =	sdelay $0x1  }
0x124: {  	v4 =	vadd.s32 v1, v4;
	_ =	sdelay $0x4  }
0x125: {  	[tilespmem:s16], [sflag:$0x1] =	stream.indirect_vreg.gather [hbm4b:s1+s3], $0x80, v4, vm0, $0xb8;
	[tilespmem:$0x18100] =	vst v63  }
0x126: {  	s10 =	simm.s32 $0x900  }
0x127: {  	[tilespmem:s10], [sflag:$0x1] =	stream.indirect_vreg.gather [hbm4b:s5+s3], $0x80, v4, vm0, $0xb8;
	[tilespmem:$0x18100] =	vst v63  }
0x128: {  	s16 =	simm.s32 $0x1100  }
0x129: {  	[tilespmem:s16], [sflag:$0x1] =	stream.indirect_vreg.gather [hbm4b:s6+s3], $0x80, v4, vm0, $0xb8;
	[tilespmem:$0x18100] =	vst v63  }
0x12a: {  	s10 =	simm.s32 $0x1900  }
0x12b: {  	[tilespmem:s10], [sflag:$0x1] =	stream.indirect_vreg.gather [hbm4b:s7+s3], $0x80, v4, vm0, $0xb8;
	[tilespmem:$0x18100] =	vst v63  }
0x12c: {  	s16 =	simm.s32 $0x2100  }
0x12d: {  	[tilespmem:s16], [sflag:$0x1] =	stream.indirect_vreg.gather [hbm4b:s8+s3], $0x80, v4, vm0, $0xb8;
	[tilespmem:$0x18100] =	vst v63  }
0x12e: {  	v3 =	vperm.xlane v3, v2;
	s10 =	simm.s32 $0x2900  }
0x12f: {  	[tilespmem:s10], [sflag:$0x1] =	stream.indirect_vreg.gather [hbm4b:s9+s3], $0x80, v4, vm0, $0xb8;
	[tilespmem:$0x18100] =	vst v63  }
0x130: {  	v3 =	vadd.s32 v1, v3;
	s16 =	simm.s32 $0x3100  }
0x131: {  	[tilespmem:s16], [sflag:$0x1] =	stream.indirect_vreg.gather [hbm4b:s11+s3], $0x80, v4, vm0, $0xb8;
	[tilespmem:$0x18100] =	vst v63  }
0x132: {  	s10 =	simm.s32 $0x3900  }
0x133: {  	[tilespmem:s10], [sflag:$0x1] =	stream.indirect_vreg.gather [hbm4b:s12+s3], $0x80, v4, vm0, $0xb8;
	[tilespmem:$0x18100] =	vst v63  }
0x134: {  	s16 =	simm.s32 $0x4100  }
0x135: {  	[tilespmem:s16], [sflag:$0x1] =	stream.indirect_vreg.gather [hbm4b:s1+s3], $0x80, v3, vm0, $0xb8;
	[tilespmem:$0x18100] =	vst v63  }
0x136: {  	s10 =	simm.s32 $0x4900  }
0x137: {  	[tilespmem:s10], [sflag:$0x1] =	stream.indirect_vreg.gather [hbm4b:s5+s3], $0x80, v3, vm0, $0xb8;
	[tilespmem:$0x18100] =	vst v63  }
0x138: {  	s16 =	simm.s32 $0x5100  }
0x139: {  	[tilespmem:s16], [sflag:$0x1] =	stream.indirect_vreg.gather [hbm4b:s6+s3], $0x80, v3, vm0, $0xb8;
	[tilespmem:$0x18100] =	vst v63  }
0x13a: {  	s10 =	simm.s32 $0x5900  }
0x13b: {  	[tilespmem:s10], [sflag:$0x1] =	stream.indirect_vreg.gather [hbm4b:s7+s3], $0x80, v3, vm0, $0xb8;
	[tilespmem:$0x18100] =	vst v63  }
0x13c: {  	s16 =	simm.s32 $0x6100  }
0x13d: {  	[tilespmem:s16], [sflag:$0x1] =	stream.indirect_vreg.gather [hbm4b:s8+s3], $0x80, v3, vm0, $0xb8;
	[tilespmem:$0x18100] =	vst v63  }
0x13e: {  	s10 =	simm.s32 $0x6900  }
0x13f: {  	[tilespmem:s10], [sflag:$0x1] =	stream.indirect_vreg.gather [hbm4b:s9+s3], $0x80, v3, vm0, $0xb8;
	[tilespmem:$0x18100] =	vst v63  }
0x140: {  	s16 =	simm.s32 $0x7100  }
0x141: {  	[tilespmem:s16], [sflag:$0x1] =	stream.indirect_vreg.gather [hbm4b:s11+s3], $0x80, v3, vm0, $0xb8;
	[tilespmem:$0x18100] =	vst v63  }
0x142: {  	s10 =	simm.s32 $0x7900  }
0x143: {  	[tilespmem:s10], [sflag:$0x1] =	stream.indirect_vreg.gather [hbm4b:s12+s3], $0x80, v3, vm0, $0xb8;
	[tilespmem:$0x18100] =	vst v63  }
0x144: {  	_ =	swait.ge [sflag:s19], $0x8000  }
0x145: {  	[sflag:s19] =	ssyncset.done $0x0  }
0x146: {  	s16 =	sadd.s32 $0x4000, s24;
	s10 =	simm.s32 $0x8100;
	[sflag:s19] =	ssyncadd.s32 $0xFFFF8000  }
0x147: {  	[hbm4b:s16+s3] =	stream.linear.scatter [tilespmem:s10], [sflag:$0x5], $0x8000, $0x38;
	[tilespmem:$0x18100] =	vst v63  }
0x148: {  	_ =	swait.ge [sflag:s31], $0x8000  }
0x149: {  	[sflag:s31] =	ssyncset.done $0x0  }
0x14a: {  	[sflag:s31] =	ssyncadd.s32 $0xFFFF8000  }
0x14b: {  	v3 =	vld [tilespmem:s22+$0x0];
	_ =	sdelay $0x4  }
0x14c: {  	v63 =	vshll.u32 v3, $0x4  }
0x14d: {  	v3 =	vand.u32 $0x7, v3;
	v4 =	vand.u32 $0xFFFFFF80, v63  }
0x14e: {  	v3 =	vor.u32 v3, v4  }
0x14f: {  	v4 =	vperm.xlane v3, v0;
	_ =	sdelay $0x1  }
0x150: {  	v4 =	vadd.s32 v1, v4;
	_ =	sdelay $0x4  }
0x151: {  	[tilespmem:s10], [sflag:$0x2] =	stream.indirect_vreg.gather [hbm4b:s1+s3], $0x80, v4, vm0, $0xb8;
	[tilespmem:$0x18100] =	vst v63  }
0x152: {  	s21 =	simm.s32 $0x8900  }
0x153: {  	[tilespmem:s21], [sflag:$0x2] =	stream.indirect_vreg.gather [hbm4b:s5+s3], $0x80, v4, vm0, $0xb8;
	[tilespmem:$0x18100] =	vst v63  }
0x154: {  	s21 =	simm.s32 $0x9100  }
0x155: {  	[tilespmem:s21], [sflag:$0x2] =	stream.indirect_vreg.gather [hbm4b:s6+s3], $0x80, v4, vm0, $0xb8;
	[tilespmem:$0x18100] =	vst v63  }
0x156: {  	s21 =	simm.s32 $0x9900  }
0x157: {  	[tilespmem:s21], [sflag:$0x2] =	stream.indirect_vreg.gather [hbm4b:s7+s3], $0x80, v4, vm0, $0xb8;
	[tilespmem:$0x18100] =	vst v63  }
0x158: {  	s21 =	simm.s32 $0xA100  }
0x159: {  	[tilespmem:s21], [sflag:$0x2] =	stream.indirect_vreg.gather [hbm4b:s8+s3], $0x80, v4, vm0, $0xb8;
	[tilespmem:$0x18100] =	vst v63  }
0x15a: {  	v3 =	vperm.xlane v3, v2;
	s21 =	simm.s32 $0xA900  }
0x15b: {  	[tilespmem:s21], [sflag:$0x2] =	stream.indirect_vreg.gather [hbm4b:s9+s3], $0x80, v4, vm0, $0xb8;
	[tilespmem:$0x18100] =	vst v63  }
0x15c: {  	v3 =	vadd.s32 v1, v3;
	s21 =	simm.s32 $0xB100  }
0x15d: {  	[tilespmem:s21], [sflag:$0x2] =	stream.indirect_vreg.gather [hbm4b:s11+s3], $0x80, v4, vm0, $0xb8;
	[tilespmem:$0x18100] =	vst v63  }
0x15e: {  	_ = 	snop  }
0x15f: {  	[tilespmem:s29], [sflag:$0x2] =	stream.indirect_vreg.gather [hbm4b:s12+s3], $0x80, v4, vm0, $0xb8;
	[tilespmem:$0x18100] =	vst v63  }
0x160: {  	_ = 	snop  }
0x161: {  	[tilespmem:s15], [sflag:$0x2] =	stream.indirect_vreg.gather [hbm4b:s1+s3], $0x80, v3, vm0, $0xb8;
	[tilespmem:$0x18100] =	vst v63  }
0x162: {  	_ = 	snop  }
0x163: {  	[tilespmem:s17], [sflag:$0x2] =	stream.indirect_vreg.gather [hbm4b:s5+s3], $0x80, v3, vm0, $0xb8;
	[tilespmem:$0x18100] =	vst v63  }
0x164: {  	_ = 	snop  }
0x165: {  	[tilespmem:s23], [sflag:$0x2] =	stream.indirect_vreg.gather [hbm4b:s6+s3], $0x80, v3, vm0, $0xb8;
	[tilespmem:$0x18100] =	vst v63  }
0x166: {  	_ = 	snop  }
0x167: {  	[tilespmem:s4], [sflag:$0x2] =	stream.indirect_vreg.gather [hbm4b:s7+s3], $0x80, v3, vm0, $0xb8;
	[tilespmem:$0x18100] =	vst v63  }
0x168: {  	_ = 	snop  }
0x169: {  	[tilespmem:s26], [sflag:$0x2] =	stream.indirect_vreg.gather [hbm4b:s8+s3], $0x80, v3, vm0, $0xb8;
	[tilespmem:$0x18100] =	vst v63  }
0x16a: {  	_ = 	snop  }
0x16b: {  	[tilespmem:s13], [sflag:$0x2] =	stream.indirect_vreg.gather [hbm4b:s9+s3], $0x80, v3, vm0, $0xb8;
	[tilespmem:$0x18100] =	vst v63  }
0x16c: {  	_ = 	snop  }
0x16d: {  	[tilespmem:s28], [sflag:$0x2] =	stream.indirect_vreg.gather [hbm4b:s11+s3], $0x80, v3, vm0, $0xb8;
	[tilespmem:$0x18100] =	vst v63  }
0x16e: {  	p0 =	sne.s32 s20, $0x6000  }
0x16f: {  	[tilespmem:s14], [sflag:$0x2] =	stream.indirect_vreg.gather [hbm4b:s12+s3], $0x80, v3, vm0, $0xb8;
	[tilespmem:$0x18100] =	vst v63  }
.Ltmp0:
0x170: {  	_ = 	snop;
	(pc) =	sbr.rel @p0 .LBB2_2-.Ltmp0, $4  }
0x171: {  	_ =	swait.ge [sflag:s0], $0x8000  }
0x172: {  	s20 =	sadd.s32 $0x3000, s20;
	s24 =	sadd.s32 $0x5000, s24;
	[sflag:s0] =	ssyncset.done $0x0  }
0x173: {  	s16 =	simm.s32 $0x8100;
	s22 =	sadd.s32 $0x30, s22;
	[sflag:s0] =	ssyncadd.s32 $0xFFFF8000  }
0x174: {  	[hbm4b:s24+s3] =	stream.linear.scatter [tilespmem:s25], [sflag:$0x6], $0x8000, $0x38;
	[tilespmem:$0x18100] =	vst v63  }
0x175: {  	_ =	swait.ge [sflag:s2], $0x8000  }
0x176: {  	[sflag:s2] =	ssyncset.done $0x0  }
0x177: {  	[sflag:s2] =	ssyncadd.s32 $0xFFFF8000  }
0x178: {  	v3 =	vld [tilespmem:$0xE0];
	_ =	sdelay $0x4  }
0x179: {  	v4 =	vshll.u32 v3, $0x4  }
0x17a: {  	v3 =	vand.u32 $0x7, v3;
	v4 =	vand.u32 $0xFFFFFF80, v4  }
0x17b: {  	v3 =	vor.u32 v3, v4  }
0x17c: {  	v4 =	vperm.xlane v3, v0;
	_ =	sdelay $0x1  }
0x17d: {  	v4 =	vadd.s32 v1, v4;
	_ =	sdelay $0x3  }
0x17e: {  	s10 =	simm.s32 $0x10100  }
0x17f: {  	[tilespmem:s10], [sflag:$0x3] =	stream.indirect_vreg.gather [hbm4b:s1+s3], $0x80, v4, vm0, $0xb8;
	[tilespmem:$0x18100] =	vst v63  }
0x180: {  	s4 =	simm.s32 $0x10900  }
0x181: {  	[tilespmem:s4], [sflag:$0x3] =	stream.indirect_vreg.gather [hbm4b:s5+s3], $0x80, v4, vm0, $0xb8;
	[tilespmem:$0x18100] =	vst v63  }
0x182: {  	s26 =	simm.s32 $0x11100  }
0x183: {  	[tilespmem:s26], [sflag:$0x3] =	stream.indirect_vreg.gather [hbm4b:s6+s3], $0x80, v4, vm0, $0xb8;
	[tilespmem:$0x18100] =	vst v63  }
0x184: {  	s13 =	simm.s32 $0x11900  }
0x185: {  	[tilespmem:s13], [sflag:$0x3] =	stream.indirect_vreg.gather [hbm4b:s7+s3], $0x80, v4, vm0, $0xb8;
	[tilespmem:$0x18100] =	vst v63  }
0x186: {  	s14 =	simm.s32 $0x12100  }
0x187: {  	[tilespmem:s14], [sflag:$0x3] =	stream.indirect_vreg.gather [hbm4b:s8+s3], $0x80, v4, vm0, $0xb8;
	[tilespmem:$0x18100] =	vst v63  }
0x188: {  	s15 =	simm.s32 $0x12900;
	v3 =	vperm.xlane v3, v2  }
0x189: {  	[tilespmem:s15], [sflag:$0x3] =	stream.indirect_vreg.gather [hbm4b:s9+s3], $0x80, v4, vm0, $0xb8;
	[tilespmem:$0x18100] =	vst v63  }
0x18a: {  	s17 =	simm.s32 $0x13100;
	v3 =	vadd.s32 v1, v3  }
0x18b: {  	[tilespmem:s17], [sflag:$0x3] =	stream.indirect_vreg.gather [hbm4b:s11+s3], $0x80, v4, vm0, $0xb8;
	[tilespmem:$0x18100] =	vst v63  }
0x18c: {  	s20 =	simm.s32 $0x13900  }
0x18d: {  	[tilespmem:s20], [sflag:$0x3] =	stream.indirect_vreg.gather [hbm4b:s12+s3], $0x80, v4, vm0, $0xb8;
	[tilespmem:$0x18100] =	vst v63  }
0x18e: {  	s21 =	simm.s32 $0x14100  }
0x18f: {  	[tilespmem:s21], [sflag:$0x3] =	stream.indirect_vreg.gather [hbm4b:s1+s3], $0x80, v3, vm0, $0xb8;
	[tilespmem:$0x18100] =	vst v63  }
0x190: {  	s22 =	simm.s32 $0x14900  }
0x191: {  	[tilespmem:s22], [sflag:$0x3] =	stream.indirect_vreg.gather [hbm4b:s5+s3], $0x80, v3, vm0, $0xb8;
	[tilespmem:$0x18100] =	vst v63  }
0x192: {  	s23 =	simm.s32 $0x15100  }
0x193: {  	[tilespmem:s23], [sflag:$0x3] =	stream.indirect_vreg.gather [hbm4b:s6+s3], $0x80, v3, vm0, $0xb8;
	[tilespmem:$0x18100] =	vst v63  }
0x194: {  	s24 =	simm.s32 $0x15900  }
0x195: {  	[tilespmem:s24], [sflag:$0x3] =	stream.indirect_vreg.gather [hbm4b:s7+s3], $0x80, v3, vm0, $0xb8;
	[tilespmem:$0x18100] =	vst v63  }
0x196: {  	s25 =	simm.s32 $0x16100  }
0x197: {  	[tilespmem:s25], [sflag:$0x3] =	stream.indirect_vreg.gather [hbm4b:s8+s3], $0x80, v3, vm0, $0xb8;
	[tilespmem:$0x18100] =	vst v63  }
0x198: {  	s26 =	simm.s32 $0x16900  }
0x199: {  	[tilespmem:s26], [sflag:$0x3] =	stream.indirect_vreg.gather [hbm4b:s9+s3], $0x80, v3, vm0, $0xb8;
	[tilespmem:$0x18100] =	vst v63  }
0x19a: {  	s13 =	simm.s32 $0x17100  }
0x19b: {  	[tilespmem:s13], [sflag:$0x3] =	stream.indirect_vreg.gather [hbm4b:s11+s3], $0x80, v3, vm0, $0xb8;
	[tilespmem:$0x18100] =	vst v63  }
0x19c: {  	s14 =	simm.s32 $0x17900  }
0x19d: {  	[tilespmem:s14], [sflag:$0x3] =	stream.indirect_vreg.gather [hbm4b:s12+s3], $0x80, v3, vm0, $0xb8;
	[tilespmem:$0x18100] =	vst v63  }
0x19e: {  	_ =	swait.ge [sflag:s18], $0x8000  }
0x19f: {  	[sflag:s18] =	ssyncset.done $0x0  }
0x1a0: {  	s13 =	simm.s32 $0x100;
	s20 =	rddreg [dreg:$0x9];
	[sflag:s18] =	ssyncadd.s32 $0xFFFF8000  }
0x1a1: {  	[hbm4b:s20+s3] =	stream.linear.scatter [tilespmem:s13], [sflag:$0x4], $0x8000, $0x38;
	[tilespmem:$0x18100] =	vst v63  }
0x1a2: {  	_ =	swait.ge [sflag:s30], $0x8000  }
0x1a3: {  	[sflag:s30] =	ssyncset.done $0x0  }
0x1a4: {  	[sflag:s30] =	ssyncadd.s32 $0xFFFF8000  }
0x1a5: {  	v3 =	vld [tilespmem:$0xF0];
	_ =	sdelay $0x4  }
0x1a6: {  	v63 =	vshll.u32 v3, $0x4  }
0x1a7: {  	v3 =	vand.u32 $0x7, v3;
	v4 =	vand.u32 $0xFFFFFF80, v63  }
0x1a8: {  	v3 =	vor.u32 v3, v4  }
0x1a9: {  	v4 =	vperm.xlane v3, v0;
	_ =	sdelay $0x1  }
0x1aa: {  	v4 =	vadd.s32 v1, v4;
	_ =	sdelay $0x4  }
0x1ab: {  	[tilespmem:s13], [sflag:$0x1] =	stream.indirect_vreg.gather [hbm4b:s1+s3], $0x80, v4, vm0, $0xb8;
	[tilespmem:$0x18100] =	vst v63  }
0x1ac: {  	s15 =	simm.s32 $0x900  }
0x1ad: {  	[tilespmem:s15], [sflag:$0x1] =	stream.indirect_vreg.gather [hbm4b:s5+s3], $0x80, v4, vm0, $0xb8;
	[tilespmem:$0x18100] =	vst v63  }
0x1ae: {  	s17 =	simm.s32 $0x1100  }
0x1af: {  	[tilespmem:s17], [sflag:$0x1] =	stream.indirect_vreg.gather [hbm4b:s6+s3], $0x80, v4, vm0, $0xb8;
	[tilespmem:$0x18100] =	vst v63  }
0x1b0: {  	s20 =	simm.s32 $0x1900  }
0x1b1: {  	[tilespmem:s20], [sflag:$0x1] =	stream.indirect_vreg.gather [hbm4b:s7+s3], $0x80, v4, vm0, $0xb8;
	[tilespmem:$0x18100] =	vst v63  }
0x1b2: {  	s21 =	simm.s32 $0x2100  }
0x1b3: {  	[tilespmem:s21], [sflag:$0x1] =	stream.indirect_vreg.gather [hbm4b:s8+s3], $0x80, v4, vm0, $0xb8;
	[tilespmem:$0x18100] =	vst v63  }
0x1b4: {  	s22 =	simm.s32 $0x2900;
	v3 =	vperm.xlane v3, v2  }
0x1b5: {  	[tilespmem:s22], [sflag:$0x1] =	stream.indirect_vreg.gather [hbm4b:s9+s3], $0x80, v4, vm0, $0xb8;
	[tilespmem:$0x18100] =	vst v63  }
0x1b6: {  	s23 =	simm.s32 $0x3100;
	v3 =	vadd.s32 v1, v3  }
0x1b7: {  	[tilespmem:s23], [sflag:$0x1] =	stream.indirect_vreg.gather [hbm4b:s11+s3], $0x80, v4, vm0, $0xb8;
	[tilespmem:$0x18100] =	vst v63  }
0x1b8: {  	s24 =	simm.s32 $0x3900  }
0x1b9: {  	[tilespmem:s24], [sflag:$0x1] =	stream.indirect_vreg.gather [hbm4b:s12+s3], $0x80, v4, vm0, $0xb8;
	[tilespmem:$0x18100] =	vst v63  }
0x1ba: {  	s25 =	simm.s32 $0x4100  }
0x1bb: {  	[tilespmem:s25], [sflag:$0x1] =	stream.indirect_vreg.gather [hbm4b:s1+s3], $0x80, v3, vm0, $0xb8;
	[tilespmem:$0x18100] =	vst v63  }
0x1bc: {  	s26 =	simm.s32 $0x4900  }
0x1bd: {  	[tilespmem:s26], [sflag:$0x1] =	stream.indirect_vreg.gather [hbm4b:s5+s3], $0x80, v3, vm0, $0xb8;
	[tilespmem:$0x18100] =	vst v63  }
0x1be: {  	s14 =	simm.s32 $0x5100  }
0x1bf: {  	[tilespmem:s14], [sflag:$0x1] =	stream.indirect_vreg.gather [hbm4b:s6+s3], $0x80, v3, vm0, $0xb8;
	[tilespmem:$0x18100] =	vst v63  }
0x1c0: {  	s15 =	simm.s32 $0x5900  }
0x1c1: {  	[tilespmem:s15], [sflag:$0x1] =	stream.indirect_vreg.gather [hbm4b:s7+s3], $0x80, v3, vm0, $0xb8;
	[tilespmem:$0x18100] =	vst v63  }
0x1c2: {  	s17 =	simm.s32 $0x6100  }
0x1c3: {  	[tilespmem:s17], [sflag:$0x1] =	stream.indirect_vreg.gather [hbm4b:s8+s3], $0x80, v3, vm0, $0xb8;
	[tilespmem:$0x18100] =	vst v63  }
0x1c4: {  	s20 =	simm.s32 $0x6900  }
0x1c5: {  	[tilespmem:s20], [sflag:$0x1] =	stream.indirect_vreg.gather [hbm4b:s9+s3], $0x80, v3, vm0, $0xb8;
	[tilespmem:$0x18100] =	vst v63  }
0x1c6: {  	s21 =	simm.s32 $0x7100  }
0x1c7: {  	[tilespmem:s21], [sflag:$0x1] =	stream.indirect_vreg.gather [hbm4b:s11+s3], $0x80, v3, vm0, $0xb8;
	[tilespmem:$0x18100] =	vst v63  }
0x1c8: {  	s22 =	simm.s32 $0x7900  }
0x1c9: {  	[tilespmem:s22], [sflag:$0x1] =	stream.indirect_vreg.gather [hbm4b:s12+s3], $0x80, v3, vm0, $0xb8;
	[tilespmem:$0x18100] =	vst v63  }
0x1ca: {  	_ =	swait.ge [sflag:s19], $0x8000  }
0x1cb: {  	[sflag:s19] =	ssyncset.done $0x0  }
0x1cc: {  	s23 =	rddreg [dreg:$0xa];
	[sflag:s19] =	ssyncadd.s32 $0xFFFF8000  }
0x1cd: {  	[hbm4b:s23+s3] =	stream.linear.scatter [tilespmem:s16], [sflag:$0x5], $0x8000, $0x38;
	[tilespmem:$0x18100] =	vst v63  }
0x1ce: {  	_ =	swait.ge [sflag:s0], $0x8000  }
0x1cf: {  	[sflag:s0] =	ssyncset.done $0x0  }
0x1d0: {  	s24 =	rddreg [dreg:$0xb];
	[sflag:s0] =	ssyncadd.s32 $0xFFFF8000  }
0x1d1: {  	[hbm4b:s24+s3] =	stream.linear.scatter [tilespmem:s10], [sflag:$0x6], $0x8000, $0x38;
	[tilespmem:$0x18100] =	vst v63  }
0x1d2: {  	_ =	swait.ge [sflag:s18], $0x8000  }
0x1d3: {  	[sflag:s18] =	ssyncset.done $0x0  }
0x1d4: {  	s25 =	rddreg [dreg:$0xc];
	[sflag:s18] =	ssyncadd.s32 $0xFFFF8000  }
0x1d5: {  	[hbm4b:s25+s3] =	stream.linear.scatter [tilespmem:s13], [sflag:$0x4], $0x8000, $0x38;
	[tilespmem:$0x18100] =	vst v63  }
0x1d6: {  	_ =	swait.ge [sflag:s31], $0x8000  }
0x1d7: {  	[sflag:s31] =	ssyncset.done $0x0  }
0x1d8: {  	[sflag:s31] =	ssyncadd.s32 $0xFFFF8000  }
0x1d9: {  	_ =	swait.ge [sflag:s2], $0x8000  }
0x1da: {  	[sflag:s2] =	ssyncset.done $0x0  }
0x1db: {  	[sflag:s2] =	ssyncadd.s32 $0xFFFF8000  }
0x1dc: {  	_ =	swait.ge [sflag:s30], $0x8000  }
0x1dd: {  	s21 =	rddreg [dreg:$0xe]  }
0x1de: {  	s26 =	rddreg [dreg:$0xd];
	s21 =	sadd.s32 $0x1, s21  }
0x1df: {  	p0 =	sne.s32 s21, s26  }
.Ltmp1:
0x1e0: {  	_ = 	snop;
	(pc) =	sbr.rel @p0 .LBB2_1-.Ltmp1, $4  }
0x1e1: {  	s28 =	simm.s32 $0xC100;
	s29 =	simm.s32 $0xC900  }
0x1e2: {  	s4 =	simm.s32 $0x8900;
	s14 =	simm.s32 $0x9900;
	s15 =	simm.s32 $0xA100  }
0x1e3: {  	s17 =	simm.s32 $0xA900;
	s13 =	simm.s32 $0x9100;
	[sflag:s30] =	ssyncset.done $0x0  }
0x1e4: {  	s25 =	simm.s32 $0xB100;
	[sflag:s30] =	ssyncadd.s32 $0xFFFF8000;
	s26 =	simm.s32 $0xB900  }
0x1e5: {  	_ =	sfence.sel $0x180000  }
0x1e6: {  	[bflag:$0x0] =	sbarrier.arrive $0xFFFF  }
0x1e7: {  	_ =	strace $0x90000047  }
0x1e8: {  	s0 =	stileid.u32;
	[bflag:$0x2] =	sbarrier.arrive $0xFFFF  }
0x1e9: {  	p0 =	sne.s32 s0, $0x0;
	s0 =	rddreg [dreg:$0x3]  }
0x1ea: {  	s0 =	sadd.s32 @!p0 $0x100000, s0  }
0x1eb: {  	[sflag:s0] =	ssyncadd.tile.s32 @!p0 $0x1;
	_ =	shalt  }
.Lfunc_end2:
_tile_overlayer_lowered:
.L_overlay_start_2:
0x1ec: {  	(tag) =	ssettag $0x2  }
0x1ed: {  	s0 =	rddreg [dreg:$0x0];
	s2 =	stileid.u32  }
0x1ee: {  	s1 =	rddreg [dreg:$0x1];
	p0 =	sne.s32 s2, $0x0  }
0x1ef: {  	s3 =	rddreg [dreg:$0x2];
	[bflag:$0x3] =	sbarrier.arrive $0xFFFF;
	s2 =	simm.s32 @!p0 $0x1C07  }
0x1f0: {  	[timem:s3], [sflag:s2] =	dma.local @!p0 [hbm:s0], s1  }
0x1f1: {  	s0 =	simm.s32 @!p0 $0x7  }
0x1f2: {  	_ =	swait.ge @!p0 [sflag:s0], s1  }
0x1f3: {  	s1 =	ssub.s32 @!p0 $0x0, s1;
	[sflag:s0] =	ssyncset.done @!p0 $0x0  }
0x1f4: {  	[sflag:s0] =	ssyncadd.s32 @!p0 s1  }
0x1f5: {  	[bflag:$0x3] =	sbarrier.arrive $0xFFFF  }
0x1f6: {  	_ =	shalt  }

</sc_bundles>
